<compile_context>
chip_gen: v7x
topology: tpu7x:2x2x1
jax: 0.10.2.dev20260603
libtpu: 0.0.44.dev20260713+nightly
codegen_flags: <defaults>
</compile_context>

<pallas_src>
import functools

import jax
import jax.numpy as jnp
from jax import lax
from jax.experimental import pallas as pl
from jax.experimental.pallas import tpu as pltpu
from jax.experimental.pallas import tpu_sc as plsc

EMB_DIM = 32
N_I = 16384
N_J = 200
VOCAB = 65536
NUM_CORES = 2
NUM_SUBCORES = 16
NBUF = 3
LANES = 16
GROUPS = N_I // LANES

_mesh = plsc.VectorSubcoreMesh(
    core_axis_name="c", subcore_axis_name="s",
    num_cores=NUM_CORES, num_subcores=NUM_SUBCORES)


@functools.partial(
    pl.kernel,
    out_type=jax.ShapeDtypeStruct((N_J, EMB_DIM, N_I), jnp.float32),
    mesh=_mesh,
    scratch_types=[
        pltpu.VMEM((VOCAB,), jnp.float32),
        pltpu.VMEM((N_I,), jnp.float32),
        pltpu.VMEM((N_I,), jnp.float32),
        pltpu.VMEM((N_I,), jnp.float32),
        pltpu.SemaphoreType.DMA,
        pltpu.SemaphoreType.DMA,
    ],
    compiler_params=pltpu.CompilerParams(needs_layout_passes=False),
)
def _qc_embed(ftr_hbm, ttr_hbm, out_hbm, tbl_v, buf0_v, buf1_v, buf2_v,
              isem, wsem):
    bufs = [buf0_v, buf1_v, buf2_v]
    d = lax.axis_index("s") * NUM_CORES + lax.axis_index("c")

    pltpu.sync_copy(ttr_hbm.at[d], tbl_v)

    pltpu.async_copy(ftr_hbm.at[0, pl.ds(0, N_I)], bufs[0], isem)

    def row(jj, carry):
        for b in range(NBUF):
            @pl.when(lax.rem(jj, NBUF) == b)
            def _():
                @pl.when(jj >= 2)
                def _():
                    pltpu.make_async_copy(
                        bufs[(b + 1) % NBUF],
                        out_hbm.at[jj, d, pl.ds(0, N_I)], wsem,
                    ).wait()

                pltpu.make_async_copy(
                    ftr_hbm.at[jj, pl.ds(0, N_I)], bufs[b], isem).wait()

                @pl.when(jj + 1 < N_J)
                def _():
                    pltpu.async_copy(
                        ftr_hbm.at[jj + 1, pl.ds(0, N_I)],
                        bufs[(b + 1) % NBUF], isem)

                @plsc.parallel_loop(0, GROUPS, unroll=16)
                def _(g):
                    sl = pl.ds(g * LANES, LANES)
                    ids = plsc.bitcast(bufs[b][sl], jnp.int32) & jnp.int32(0xFFFF)
                    bufs[b][sl] = plsc.load_gather(tbl_v, [ids])

                pltpu.async_copy(bufs[b], out_hbm.at[jj, d, pl.ds(0, N_I)], wsem)
        return carry

    lax.fori_loop(0, N_J, row, 0)
    for _ in range(2):
        pltpu.make_async_copy(bufs[0], out_hbm.at[0, d, pl.ds(0, N_I)], wsem).wait()


def kernel(qc_flags, emb_table):
    flags_f32 = lax.bitcast_convert_type(qc_flags.T, jnp.float32)
    out3 = _qc_embed(flags_f32, emb_table.T)
    return out3.transpose(2, 0, 1)

# --- scband reference (transcript-rebuilt; emitter-appended) ---
"""Pipeline reference for scband-qcpacked-embedding-6734508720429 (READ-ONLY COPY).

The authoritative reference and input builder live on the scoring server;
editing this copy changes nothing except your own understanding.
"""

import jax, jax.numpy as jnp
import numpy as np

EMB_DIM = 32
BIT_INDICES = [0,1,2,3,4,5,6,7,8,9,10,11,12,13,14,15]
VOCAB = 2 ** len(BIT_INDICES)

def setup_inputs(seed: int = 0) -> dict:
    key = jax.random.key(seed)
    k1, k2 = jax.random.split(key)
    qc_flags = jax.random.randint(k1, (16384, 200), 0, 65536, dtype=jnp.int32)
    emb_table = jax.random.normal(k2, (VOCAB, EMB_DIM), dtype=jnp.float32)
    return {"qc_flags": qc_flags, "emb_table": emb_table}

def reference(qc_flags, emb_table):
    q = qc_flags.astype(jnp.int32)
    bits = jnp.asarray(BIT_INDICES, dtype=jnp.int32)
    # broadcast bits to trailing dim
    q_ = q[..., None]
    packed = ((q_ >> bits) & 1).astype(jnp.int32)
    shifts = jnp.arange(len(BIT_INDICES), dtype=jnp.int32)
    ids = jnp.sum(packed << shifts, axis=-1)
    return jnp.take(emb_table, ids, axis=0)

if __name__ == "__main__":
    import jax
    _d = setup_inputs()
    print(jax.jit(kernel)(*tuple(_d.values())))

</pallas_src>

<mosaic_0001>
#map = affine_map<(d0, d1) -> (0, 0)>
#map1 = affine_map<(d0, d1) -> (0, 0, 0)>
module attributes {stable_mosaic.version = 14 : i64} {
  func.func @_qc_embed(%arg0: i32, %arg1: i32, %arg2: memref<200x16384xf32, #tpu.memory_space<hbm>>, %arg3: memref<32x65536xf32, #tpu.memory_space<hbm>>, %arg4: memref<200x32x16384xf32, #tpu.memory_space<hbm>>, %arg5: memref<65536xf32, #tpu.memory_space<vmem>>, %arg6: memref<16384xf32, #tpu.memory_space<vmem>>, %arg7: memref<16384xf32, #tpu.memory_space<vmem>>, %arg8: memref<16384xf32, #tpu.memory_space<vmem>>, %arg9: memref<!tpu.dma_semaphore, #tpu.memory_space<semaphore_mem>>, %arg10: memref<!tpu.dma_semaphore, #tpu.memory_space<semaphore_mem>>) attributes {dimension_semantics = [#tpu.dimension_semantics<core_parallel>, #tpu.dimension_semantics<subcore_parallel>], iteration_bounds = array<i64: 2, 16>, scalar_prefetch = 0 : i64, scratch_operands = 6 : i64, tpu.core_type = #tpu.core_type<sc_vector_subcore>, window_params = [{transform_indices = #map}, {transform_indices = #map}, {transform_indices = #map1}]} {
    %mul3A = arith.constant 2 : i32
    %mul3A_0 = arith.muli %arg1, %mul3A : i32
    %add3A = arith.addi %mul3A_0, %arg0 : i32
    "tpu.region"() ({
      %run_scoped3A = tpu.sem_alloc : memref<!tpu.dma_semaphore, #tpu.memory_space<semaphore_mem>>
      %dma_start3A_25 = arith.constant 0 : i32
      %dma_start3A_26 = tpu.memref_slice %arg3[%add3A, %dma_start3A_25] : memref<32x65536xf32, #tpu.memory_space<hbm>> -> memref<1x65536xf32, #tpu.memory_space<hbm>>
      %dma_start3A_27 = tpu.memref_squeeze %dma_start3A_26 : memref<1x65536xf32, #tpu.memory_space<hbm>> -> memref<65536xf32, #tpu.memory_space<hbm>>
      %dma_start3A_28 = arith.constant 0 : i32
      %dma_start3A_29 = tpu.memref_slice %arg3[%add3A, %dma_start3A_28] : memref<32x65536xf32, #tpu.memory_space<hbm>> -> memref<1x65536xf32, #tpu.memory_space<hbm>>
      %dma_start3A_30 = tpu.memref_squeeze %dma_start3A_29 : memref<1x65536xf32, #tpu.memory_space<hbm>> -> memref<65536xf32, #tpu.memory_space<hbm>>
      tpu.enqueue_dma source(%dma_start3A_30 : memref<65536xf32, #tpu.memory_space<hbm>>) target(%arg5 : memref<65536xf32, #tpu.memory_space<vmem>>) target_semaphore(%run_scoped3A : memref<!tpu.dma_semaphore, #tpu.memory_space<semaphore_mem>>)
      %dma_wait3A_31 = arith.constant 0 : i32
      %dma_wait3A_32 = tpu.memref_slice %arg3[%add3A, %dma_wait3A_31] : memref<32x65536xf32, #tpu.memory_space<hbm>> -> memref<1x65536xf32, #tpu.memory_space<hbm>>
      %dma_wait3A_33 = tpu.memref_squeeze %dma_wait3A_32 : memref<1x65536xf32, #tpu.memory_space<hbm>> -> memref<65536xf32, #tpu.memory_space<hbm>>
      %dma_wait3A_34 = arith.constant 0 : i32
      %dma_wait3A_35 = tpu.memref_slice %arg3[%add3A, %dma_wait3A_34] : memref<32x65536xf32, #tpu.memory_space<hbm>> -> memref<1x65536xf32, #tpu.memory_space<hbm>>
      %dma_wait3A_36 = tpu.memref_squeeze %dma_wait3A_35 : memref<1x65536xf32, #tpu.memory_space<hbm>> -> memref<65536xf32, #tpu.memory_space<hbm>>
      tpu.wait_dma2 semaphore(%run_scoped3A : memref<!tpu.dma_semaphore, #tpu.memory_space<semaphore_mem>>) src(%dma_wait3A_36 : memref<65536xf32, #tpu.memory_space<hbm>>) dst(%arg5 : memref<65536xf32, #tpu.memory_space<vmem>>)
      tpu.yield
    }) : () -> ()
    %dma_start3A = arith.constant 0 : i32
    %dma_start3A_1 = arith.constant 0 : i32
    %dma_start3A_2 = tpu.memref_slice %arg2[%dma_start3A, %dma_start3A_1] : memref<200x16384xf32, #tpu.memory_space<hbm>> -> memref<1x16384xf32, #tpu.memory_space<hbm>>
    %dma_start3A_3 = tpu.memref_squeeze %dma_start3A_2 : memref<1x16384xf32, #tpu.memory_space<hbm>> -> memref<16384xf32, #tpu.memory_space<hbm>>
    %dma_start3A_4 = arith.constant 0 : i32
    %dma_start3A_5 = tpu.memref_slice %arg2[%dma_start3A, %dma_start3A_4] : memref<200x16384xf32, #tpu.memory_space<hbm>> -> memref<1x16384xf32, #tpu.memory_space<hbm>>
    %dma_start3A_6 = tpu.memref_squeeze %dma_start3A_5 : memref<1x16384xf32, #tpu.memory_space<hbm>> -> memref<16384xf32, #tpu.memory_space<hbm>>
    tpu.enqueue_dma source(%dma_start3A_6 : memref<16384xf32, #tpu.memory_space<hbm>>) target(%arg6 : memref<16384xf32, #tpu.memory_space<vmem>>) target_semaphore(%arg9 : memref<!tpu.dma_semaphore, #tpu.memory_space<semaphore_mem>>)
    %scan3A = arith.constant 0 : i32
    %scan3A_7 = arith.constant 0 : i32
    %scan3A_8 = arith.constant 200 : i32
    %scan3A_9 = arith.addi %scan3A_7, %scan3A_8 : i32
    %scan3A_10 = arith.constant 1 : i32
    scf.for %scan3A_25 = %scan3A_7 to %scan3A_9 step %scan3A_10  : i32 {
      %rem3A = arith.constant 3 : i32
      %rem3A_26 = arith.remsi %scan3A_25, %rem3A : i32
      %eq3A = arith.constant 0 : i32
      %eq3A_27 = arith.cmpi eq, %rem3A_26, %eq3A : i32
      %convert_element_type3A = arith.extui %eq3A_27 : i1 to i32
      %cond3A = arith.constant 0 : i32
      %cond3A_28 = arith.cmpi ne, %convert_element_type3A, %cond3A : i32
      scf.if %cond3A_28 {
        %ge3A = arith.constant 2 : i32
        %ge3A_43 = arith.cmpi sge, %scan3A_25, %ge3A : i32
        %convert_element_type3A_44 = arith.extui %ge3A_43 : i1 to i32
        %cond3A_45 = arith.constant 0 : i32
        %cond3A_46 = arith.cmpi ne, %convert_element_type3A_44, %cond3A_45 : i32
        scf.if %cond3A_46 {
          %dma_wait3A_67 = arith.constant 0 : i32
          %dma_wait3A_68 = tpu.memref_slice %arg4[%scan3A_25, %add3A, %dma_wait3A_67] : memref<200x32x16384xf32, #tpu.memory_space<hbm>> -> memref<1x1x16384xf32, #tpu.memory_space<hbm>>
          %dma_wait3A_69 = tpu.memref_squeeze %dma_wait3A_68 : memref<1x1x16384xf32, #tpu.memory_space<hbm>> -> memref<16384xf32, #tpu.memory_space<hbm>>
          %dma_wait3A_70 = arith.constant 0 : i32
          %dma_wait3A_71 = tpu.memref_slice %arg4[%scan3A_25, %add3A, %dma_wait3A_70] : memref<200x32x16384xf32, #tpu.memory_space<hbm>> -> memref<1x1x16384xf32, #tpu.memory_space<hbm>>
          %dma_wait3A_72 = tpu.memref_squeeze %dma_wait3A_71 : memref<1x1x16384xf32, #tpu.memory_space<hbm>> -> memref<16384xf32, #tpu.memory_space<hbm>>
          tpu.wait_dma2 semaphore(%arg10 : memref<!tpu.dma_semaphore, #tpu.memory_space<semaphore_mem>>) src(%arg7 : memref<16384xf32, #tpu.memory_space<vmem>>) dst(%dma_wait3A_72 : memref<16384xf32, #tpu.memory_space<hbm>>)
        } else {
        }
        %dma_wait3A_47 = arith.constant 0 : i32
        %dma_wait3A_48 = tpu.memref_slice %arg2[%scan3A_25, %dma_wait3A_47] : memref<200x16384xf32, #tpu.memory_space<hbm>> -> memref<1x16384xf32, #tpu.memory_space<hbm>>
        %dma_wait3A_49 = tpu.memref_squeeze %dma_wait3A_48 : memref<1x16384xf32, #tpu.memory_space<hbm>> -> memref<16384xf32, #tpu.memory_space<hbm>>
        %dma_wait3A_50 = arith.constant 0 : i32
        %dma_wait3A_51 = tpu.memref_slice %arg2[%scan3A_25, %dma_wait3A_50] : memref<200x16384xf32, #tpu.memory_space<hbm>> -> memref<1x16384xf32, #tpu.memory_space<hbm>>
        %dma_wait3A_52 = tpu.memref_squeeze %dma_wait3A_51 : memref<1x16384xf32, #tpu.memory_space<hbm>> -> memref<16384xf32, #tpu.memory_space<hbm>>
        tpu.wait_dma2 semaphore(%arg9 : memref<!tpu.dma_semaphore, #tpu.memory_space<semaphore_mem>>) src(%dma_wait3A_52 : memref<16384xf32, #tpu.memory_space<hbm>>) dst(%arg6 : memref<16384xf32, #tpu.memory_space<vmem>>)
        %add3A_53 = arith.constant 1 : i32
        %add3A_54 = arith.addi %scan3A_25, %add3A_53 : i32
        %lt3A = arith.constant 200 : i32
        %lt3A_55 = arith.cmpi slt, %add3A_54, %lt3A : i32
        %convert_element_type3A_56 = arith.extui %lt3A_55 : i1 to i32
        %cond3A_57 = arith.constant 0 : i32
        %cond3A_58 = arith.cmpi ne, %convert_element_type3A_56, %cond3A_57 : i32
        scf.if %cond3A_58 {
          %add3A_67 = arith.constant 1 : i32
          %add3A_68 = arith.addi %scan3A_25, %add3A_67 : i32
          %dma_start3A_69 = arith.constant 0 : i32
          %dma_start3A_70 = tpu.memref_slice %arg2[%add3A_68, %dma_start3A_69] : memref<200x16384xf32, #tpu.memory_space<hbm>> -> memref<1x16384xf32, #tpu.memory_space<hbm>>
          %dma_start3A_71 = tpu.memref_squeeze %dma_start3A_70 : memref<1x16384xf32, #tpu.memory_space<hbm>> -> memref<16384xf32, #tpu.memory_space<hbm>>
          %dma_start3A_72 = arith.constant 0 : i32
          %dma_start3A_73 = tpu.memref_slice %arg2[%add3A_68, %dma_start3A_72] : memref<200x16384xf32, #tpu.memory_space<hbm>> -> memref<1x16384xf32, #tpu.memory_space<hbm>>
          %dma_start3A_74 = tpu.memref_squeeze %dma_start3A_73 : memref<1x16384xf32, #tpu.memory_space<hbm>> -> memref<16384xf32, #tpu.memory_space<hbm>>
          tpu.enqueue_dma source(%dma_start3A_74 : memref<16384xf32, #tpu.memory_space<hbm>>) target(%arg7 : memref<16384xf32, #tpu.memory_space<vmem>>) target_semaphore(%arg9 : memref<!tpu.dma_semaphore, #tpu.memory_space<semaphore_mem>>)
        } else {
        }
        %parallel_loop3A = arith.constant 0 : i32
        %parallel_loop3A_59 = arith.constant 1024 : i32
        %parallel_loop3A_60 = arith.constant 1 : i32
        scf.for %parallel_loop3A_67 = %parallel_loop3A to %parallel_loop3A_59 step %parallel_loop3A_60  : i32 {
          %parallel_loop3A_68 = arith.constant 16 : i32
          %parallel_loop3A_69 = arith.muli %parallel_loop3A_67, %parallel_loop3A_68 : i32
          %parallel_loop3A_70 = arith.index_cast %parallel_loop3A_69 : i32 to index
          %parallel_loop3A_71 = tpu.vector_load %arg6[%parallel_loop3A_70] {strides = array<i32>} : memref<16384xf32, #tpu.memory_space<vmem>>, vector<16xf32>,
          %parallel_loop3A_72 = vector.bitcast %parallel_loop3A_71 : vector<16xf32> to vector<16xi32>
          %parallel_loop3A_73 = arith.constant 65535 : i32
          %parallel_loop3A_74 = vector.broadcast %parallel_loop3A_73 : i32 to vector<16xi32>
          %parallel_loop3A_75 = arith.andi %parallel_loop3A_72, %parallel_loop3A_74 : vector<16xi32>
          %parallel_loop3A_76 = tpu.vector_load_idx %arg5[%parallel_loop3A_75] : memref<65536xf32, #tpu.memory_space<vmem>>[vector<16xi32>], vector<16xf32>,
          %parallel_loop3A_77 = arith.index_cast %parallel_loop3A_69 : i32 to index
          %parallel_loop3A_78 = tpu.vector_load %arg6[%parallel_loop3A_77] {strides = array<i32>} : memref<16384xf32, #tpu.memory_space<vmem>>, vector<16xf32>,
          tpu.vector_store %arg6[%parallel_loop3A_77], %parallel_loop3A_76 {strides = array<i32>} : memref<16384xf32, #tpu.memory_space<vmem>>, vector<16xf32>,
        } {sc.loop_unroll_factor = 16 : i64, sc.parallel_access}
        %dma_start3A_61 = arith.constant 0 : i32
        %dma_start3A_62 = tpu.memref_slice %arg4[%scan3A_25, %add3A, %dma_start3A_61] : memref<200x32x16384xf32, #tpu.memory_space<hbm>> -> memref<1x1x16384xf32, #tpu.memory_space<hbm>>
        %dma_start3A_63 = tpu.memref_squeeze %dma_start3A_62 : memref<1x1x16384xf32, #tpu.memory_space<hbm>> -> memref<16384xf32, #tpu.memory_space<hbm>>
        %dma_start3A_64 = arith.constant 0 : i32
        %dma_start3A_65 = tpu.memref_slice %arg4[%scan3A_25, %add3A, %dma_start3A_64] : memref<200x32x16384xf32, #tpu.memory_space<hbm>> -> memref<1x1x16384xf32, #tpu.memory_space<hbm>>
        %dma_start3A_66 = tpu.memref_squeeze %dma_start3A_65 : memref<1x1x16384xf32, #tpu.memory_space<hbm>> -> memref<16384xf32, #tpu.memory_space<hbm>>
        tpu.enqueue_dma source(%arg6 : memref<16384xf32, #tpu.memory_space<vmem>>) target(%dma_start3A_66 : memref<16384xf32, #tpu.memory_space<hbm>>) target_semaphore(%arg10 : memref<!tpu.dma_semaphore, #tpu.memory_space<semaphore_mem>>)
      } else {
      }
      %rem3A_29 = arith.constant 3 : i32
      %rem3A_30 = arith.remsi %scan3A_25, %rem3A_29 : i32
      %eq3A_31 = arith.constant 1 : i32
      %eq3A_32 = arith.cmpi eq, %rem3A_30, %eq3A_31 : i32
      %convert_element_type3A_33 = arith.extui %eq3A_32 : i1 to i32
      %cond3A_34 = arith.constant 0 : i32
      %cond3A_35 = arith.cmpi ne, %convert_element_type3A_33, %cond3A_34 : i32
      scf.if %cond3A_35 {
        %ge3A = arith.constant 2 : i32
        %ge3A_43 = arith.cmpi sge, %scan3A_25, %ge3A : i32
        %convert_element_type3A_44 = arith.extui %ge3A_43 : i1 to i32
        %cond3A_45 = arith.constant 0 : i32
        %cond3A_46 = arith.cmpi ne, %convert_element_type3A_44, %cond3A_45 : i32
        scf.if %cond3A_46 {
          %dma_wait3A_67 = arith.constant 0 : i32
          %dma_wait3A_68 = tpu.memref_slice %arg4[%scan3A_25, %add3A, %dma_wait3A_67] : memref<200x32x16384xf32, #tpu.memory_space<hbm>> -> memref<1x1x16384xf32, #tpu.memory_space<hbm>>
          %dma_wait3A_69 = tpu.memref_squeeze %dma_wait3A_68 : memref<1x1x16384xf32, #tpu.memory_space<hbm>> -> memref<16384xf32, #tpu.memory_space<hbm>>
          %dma_wait3A_70 = arith.constant 0 : i32
          %dma_wait3A_71 = tpu.memref_slice %arg4[%scan3A_25, %add3A, %dma_wait3A_70] : memref<200x32x16384xf32, #tpu.memory_space<hbm>> -> memref<1x1x16384xf32, #tpu.memory_space<hbm>>
          %dma_wait3A_72 = tpu.memref_squeeze %dma_wait3A_71 : memref<1x1x16384xf32, #tpu.memory_space<hbm>> -> memref<16384xf32, #tpu.memory_space<hbm>>
          tpu.wait_dma2 semaphore(%arg10 : memref<!tpu.dma_semaphore, #tpu.memory_space<semaphore_mem>>) src(%arg8 : memref<16384xf32, #tpu.memory_space<vmem>>) dst(%dma_wait3A_72 : memref<16384xf32, #tpu.memory_space<hbm>>)
        } else {
        }
        %dma_wait3A_47 = arith.constant 0 : i32
        %dma_wait3A_48 = tpu.memref_slice %arg2[%scan3A_25, %dma_wait3A_47] : memref<200x16384xf32, #tpu.memory_space<hbm>> -> memref<1x16384xf32, #tpu.memory_space<hbm>>
        %dma_wait3A_49 = tpu.memref_squeeze %dma_wait3A_48 : memref<1x16384xf32, #tpu.memory_space<hbm>> -> memref<16384xf32, #tpu.memory_space<hbm>>
        %dma_wait3A_50 = arith.constant 0 : i32
        %dma_wait3A_51 = tpu.memref_slice %arg2[%scan3A_25, %dma_wait3A_50] : memref<200x16384xf32, #tpu.memory_space<hbm>> -> memref<1x16384xf32, #tpu.memory_space<hbm>>
        %dma_wait3A_52 = tpu.memref_squeeze %dma_wait3A_51 : memref<1x16384xf32, #tpu.memory_space<hbm>> -> memref<16384xf32, #tpu.memory_space<hbm>>
        tpu.wait_dma2 semaphore(%arg9 : memref<!tpu.dma_semaphore, #tpu.memory_space<semaphore_mem>>) src(%dma_wait3A_52 : memref<16384xf32, #tpu.memory_space<hbm>>) dst(%arg7 : memref<16384xf32, #tpu.memory_space<vmem>>)
        %add3A_53 = arith.constant 1 : i32
        %add3A_54 = arith.addi %scan3A_25, %add3A_53 : i32
        %lt3A = arith.constant 200 : i32
        %lt3A_55 = arith.cmpi slt, %add3A_54, %lt3A : i32
        %convert_element_type3A_56 = arith.extui %lt3A_55 : i1 to i32
        %cond3A_57 = arith.constant 0 : i32
        %cond3A_58 = arith.cmpi ne, %convert_element_type3A_56, %cond3A_57 : i32
        scf.if %cond3A_58 {
          %add3A_67 = arith.constant 1 : i32
          %add3A_68 = arith.addi %scan3A_25, %add3A_67 : i32
          %dma_start3A_69 = arith.constant 0 : i32
          %dma_start3A_70 = tpu.memref_slice %arg2[%add3A_68, %dma_start3A_69] : memref<200x16384xf32, #tpu.memory_space<hbm>> -> memref<1x16384xf32, #tpu.memory_space<hbm>>
          %dma_start3A_71 = tpu.memref_squeeze %dma_start3A_70 : memref<1x16384xf32, #tpu.memory_space<hbm>> -> memref<16384xf32, #tpu.memory_space<hbm>>
          %dma_start3A_72 = arith.constant 0 : i32
          %dma_start3A_73 = tpu.memref_slice %arg2[%add3A_68, %dma_start3A_72] : memref<200x16384xf32, #tpu.memory_space<hbm>> -> memref<1x16384xf32, #tpu.memory_space<hbm>>
          %dma_start3A_74 = tpu.memref_squeeze %dma_start3A_73 : memref<1x16384xf32, #tpu.memory_space<hbm>> -> memref<16384xf32, #tpu.memory_space<hbm>>
          tpu.enqueue_dma source(%dma_start3A_74 : memref<16384xf32, #tpu.memory_space<hbm>>) target(%arg8 : memref<16384xf32, #tpu.memory_space<vmem>>) target_semaphore(%arg9 : memref<!tpu.dma_semaphore, #tpu.memory_space<semaphore_mem>>)
        } else {
        }
        %parallel_loop3A = arith.constant 0 : i32
        %parallel_loop3A_59 = arith.constant 1024 : i32
        %parallel_loop3A_60 = arith.constant 1 : i32
        scf.for %parallel_loop3A_67 = %parallel_loop3A to %parallel_loop3A_59 step %parallel_loop3A_60  : i32 {
          %parallel_loop3A_68 = arith.constant 16 : i32
          %parallel_loop3A_69 = arith.muli %parallel_loop3A_67, %parallel_loop3A_68 : i32
          %parallel_loop3A_70 = arith.index_cast %parallel_loop3A_69 : i32 to index
          %parallel_loop3A_71 = tpu.vector_load %arg7[%parallel_loop3A_70] {strides = array<i32>} : memref<16384xf32, #tpu.memory_space<vmem>>, vector<16xf32>,
          %parallel_loop3A_72 = vector.bitcast %parallel_loop3A_71 : vector<16xf32> to vector<16xi32>
          %parallel_loop3A_73 = arith.constant 65535 : i32
          %parallel_loop3A_74 = vector.broadcast %parallel_loop3A_73 : i32 to vector<16xi32>
          %parallel_loop3A_75 = arith.andi %parallel_loop3A_72, %parallel_loop3A_74 : vector<16xi32>
          %parallel_loop3A_76 = tpu.vector_load_idx %arg5[%parallel_loop3A_75] : memref<65536xf32, #tpu.memory_space<vmem>>[vector<16xi32>], vector<16xf32>,
          %parallel_loop3A_77 = arith.index_cast %parallel_loop3A_69 : i32 to index
          %parallel_loop3A_78 = tpu.vector_load %arg7[%parallel_loop3A_77] {strides = array<i32>} : memref<16384xf32, #tpu.memory_space<vmem>>, vector<16xf32>,
          tpu.vector_store %arg7[%parallel_loop3A_77], %parallel_loop3A_76 {strides = array<i32>} : memref<16384xf32, #tpu.memory_space<vmem>>, vector<16xf32>,
        } {sc.loop_unroll_factor = 16 : i64, sc.parallel_access}
        %dma_start3A_61 = arith.constant 0 : i32
        %dma_start3A_62 = tpu.memref_slice %arg4[%scan3A_25, %add3A, %dma_start3A_61] : memref<200x32x16384xf32, #tpu.memory_space<hbm>> -> memref<1x1x16384xf32, #tpu.memory_space<hbm>>
        %dma_start3A_63 = tpu.memref_squeeze %dma_start3A_62 : memref<1x1x16384xf32, #tpu.memory_space<hbm>> -> memref<16384xf32, #tpu.memory_space<hbm>>
        %dma_start3A_64 = arith.constant 0 : i32
        %dma_start3A_65 = tpu.memref_slice %arg4[%scan3A_25, %add3A, %dma_start3A_64] : memref<200x32x16384xf32, #tpu.memory_space<hbm>> -> memref<1x1x16384xf32, #tpu.memory_space<hbm>>
        %dma_start3A_66 = tpu.memref_squeeze %dma_start3A_65 : memref<1x1x16384xf32, #tpu.memory_space<hbm>> -> memref<16384xf32, #tpu.memory_space<hbm>>
        tpu.enqueue_dma source(%arg7 : memref<16384xf32, #tpu.memory_space<vmem>>) target(%dma_start3A_66 : memref<16384xf32, #tpu.memory_space<hbm>>) target_semaphore(%arg10 : memref<!tpu.dma_semaphore, #tpu.memory_space<semaphore_mem>>)
      } else {
      }
      %rem3A_36 = arith.constant 3 : i32
      %rem3A_37 = arith.remsi %scan3A_25, %rem3A_36 : i32
      %eq3A_38 = arith.constant 2 : i32
      %eq3A_39 = arith.cmpi eq, %rem3A_37, %eq3A_38 : i32
      %convert_element_type3A_40 = arith.extui %eq3A_39 : i1 to i32
      %cond3A_41 = arith.constant 0 : i32
      %cond3A_42 = arith.cmpi ne, %convert_element_type3A_40, %cond3A_41 : i32
      scf.if %cond3A_42 {
        %ge3A = arith.constant 2 : i32
        %ge3A_43 = arith.cmpi sge, %scan3A_25, %ge3A : i32
        %convert_element_type3A_44 = arith.extui %ge3A_43 : i1 to i32
        %cond3A_45 = arith.constant 0 : i32
        %cond3A_46 = arith.cmpi ne, %convert_element_type3A_44, %cond3A_45 : i32
        scf.if %cond3A_46 {
          %dma_wait3A_67 = arith.constant 0 : i32
          %dma_wait3A_68 = tpu.memref_slice %arg4[%scan3A_25, %add3A, %dma_wait3A_67] : memref<200x32x16384xf32, #tpu.memory_space<hbm>> -> memref<1x1x16384xf32, #tpu.memory_space<hbm>>
          %dma_wait3A_69 = tpu.memref_squeeze %dma_wait3A_68 : memref<1x1x16384xf32, #tpu.memory_space<hbm>> -> memref<16384xf32, #tpu.memory_space<hbm>>
          %dma_wait3A_70 = arith.constant 0 : i32
          %dma_wait3A_71 = tpu.memref_slice %arg4[%scan3A_25, %add3A, %dma_wait3A_70] : memref<200x32x16384xf32, #tpu.memory_space<hbm>> -> memref<1x1x16384xf32, #tpu.memory_space<hbm>>
          %dma_wait3A_72 = tpu.memref_squeeze %dma_wait3A_71 : memref<1x1x16384xf32, #tpu.memory_space<hbm>> -> memref<16384xf32, #tpu.memory_space<hbm>>
          tpu.wait_dma2 semaphore(%arg10 : memref<!tpu.dma_semaphore, #tpu.memory_space<semaphore_mem>>) src(%arg6 : memref<16384xf32, #tpu.memory_space<vmem>>) dst(%dma_wait3A_72 : memref<16384xf32, #tpu.memory_space<hbm>>)
        } else {
        }
        %dma_wait3A_47 = arith.constant 0 : i32
        %dma_wait3A_48 = tpu.memref_slice %arg2[%scan3A_25, %dma_wait3A_47] : memref<200x16384xf32, #tpu.memory_space<hbm>> -> memref<1x16384xf32, #tpu.memory_space<hbm>>
        %dma_wait3A_49 = tpu.memref_squeeze %dma_wait3A_48 : memref<1x16384xf32, #tpu.memory_space<hbm>> -> memref<16384xf32, #tpu.memory_space<hbm>>
        %dma_wait3A_50 = arith.constant 0 : i32
        %dma_wait3A_51 = tpu.memref_slice %arg2[%scan3A_25, %dma_wait3A_50] : memref<200x16384xf32, #tpu.memory_space<hbm>> -> memref<1x16384xf32, #tpu.memory_space<hbm>>
        %dma_wait3A_52 = tpu.memref_squeeze %dma_wait3A_51 : memref<1x16384xf32, #tpu.memory_space<hbm>> -> memref<16384xf32, #tpu.memory_space<hbm>>
        tpu.wait_dma2 semaphore(%arg9 : memref<!tpu.dma_semaphore, #tpu.memory_space<semaphore_mem>>) src(%dma_wait3A_52 : memref<16384xf32, #tpu.memory_space<hbm>>) dst(%arg8 : memref<16384xf32, #tpu.memory_space<vmem>>)
        %add3A_53 = arith.constant 1 : i32
        %add3A_54 = arith.addi %scan3A_25, %add3A_53 : i32
        %lt3A = arith.constant 200 : i32
        %lt3A_55 = arith.cmpi slt, %add3A_54, %lt3A : i32
        %convert_element_type3A_56 = arith.extui %lt3A_55 : i1 to i32
        %cond3A_57 = arith.constant 0 : i32
        %cond3A_58 = arith.cmpi ne, %convert_element_type3A_56, %cond3A_57 : i32
        scf.if %cond3A_58 {
          %add3A_67 = arith.constant 1 : i32
          %add3A_68 = arith.addi %scan3A_25, %add3A_67 : i32
          %dma_start3A_69 = arith.constant 0 : i32
          %dma_start3A_70 = tpu.memref_slice %arg2[%add3A_68, %dma_start3A_69] : memref<200x16384xf32, #tpu.memory_space<hbm>> -> memref<1x16384xf32, #tpu.memory_space<hbm>>
          %dma_start3A_71 = tpu.memref_squeeze %dma_start3A_70 : memref<1x16384xf32, #tpu.memory_space<hbm>> -> memref<16384xf32, #tpu.memory_space<hbm>>
          %dma_start3A_72 = arith.constant 0 : i32
          %dma_start3A_73 = tpu.memref_slice %arg2[%add3A_68, %dma_start3A_72] : memref<200x16384xf32, #tpu.memory_space<hbm>> -> memref<1x16384xf32, #tpu.memory_space<hbm>>
          %dma_start3A_74 = tpu.memref_squeeze %dma_start3A_73 : memref<1x16384xf32, #tpu.memory_space<hbm>> -> memref<16384xf32, #tpu.memory_space<hbm>>
          tpu.enqueue_dma source(%dma_start3A_74 : memref<16384xf32, #tpu.memory_space<hbm>>) target(%arg6 : memref<16384xf32, #tpu.memory_space<vmem>>) target_semaphore(%arg9 : memref<!tpu.dma_semaphore, #tpu.memory_space<semaphore_mem>>)
        } else {
        }
        %parallel_loop3A = arith.constant 0 : i32
        %parallel_loop3A_59 = arith.constant 1024 : i32
        %parallel_loop3A_60 = arith.constant 1 : i32
        scf.for %parallel_loop3A_67 = %parallel_loop3A to %parallel_loop3A_59 step %parallel_loop3A_60  : i32 {
          %parallel_loop3A_68 = arith.constant 16 : i32
          %parallel_loop3A_69 = arith.muli %parallel_loop3A_67, %parallel_loop3A_68 : i32
          %parallel_loop3A_70 = arith.index_cast %parallel_loop3A_69 : i32 to index
          %parallel_loop3A_71 = tpu.vector_load %arg8[%parallel_loop3A_70] {strides = array<i32>} : memref<16384xf32, #tpu.memory_space<vmem>>, vector<16xf32>,
          %parallel_loop3A_72 = vector.bitcast %parallel_loop3A_71 : vector<16xf32> to vector<16xi32>
          %parallel_loop3A_73 = arith.constant 65535 : i32
          %parallel_loop3A_74 = vector.broadcast %parallel_loop3A_73 : i32 to vector<16xi32>
          %parallel_loop3A_75 = arith.andi %parallel_loop3A_72, %parallel_loop3A_74 : vector<16xi32>
          %parallel_loop3A_76 = tpu.vector_load_idx %arg5[%parallel_loop3A_75] : memref<65536xf32, #tpu.memory_space<vmem>>[vector<16xi32>], vector<16xf32>,
          %parallel_loop3A_77 = arith.index_cast %parallel_loop3A_69 : i32 to index
          %parallel_loop3A_78 = tpu.vector_load %arg8[%parallel_loop3A_77] {strides = array<i32>} : memref<16384xf32, #tpu.memory_space<vmem>>, vector<16xf32>,
          tpu.vector_store %arg8[%parallel_loop3A_77], %parallel_loop3A_76 {strides = array<i32>} : memref<16384xf32, #tpu.memory_space<vmem>>, vector<16xf32>,
        } {sc.loop_unroll_factor = 16 : i64, sc.parallel_access}
        %dma_start3A_61 = arith.constant 0 : i32
        %dma_start3A_62 = tpu.memref_slice %arg4[%scan3A_25, %add3A, %dma_start3A_61] : memref<200x32x16384xf32, #tpu.memory_space<hbm>> -> memref<1x1x16384xf32, #tpu.memory_space<hbm>>
        %dma_start3A_63 = tpu.memref_squeeze %dma_start3A_62 : memref<1x1x16384xf32, #tpu.memory_space<hbm>> -> memref<16384xf32, #tpu.memory_space<hbm>>
        %dma_start3A_64 = arith.constant 0 : i32
        %dma_start3A_65 = tpu.memref_slice %arg4[%scan3A_25, %add3A, %dma_start3A_64] : memref<200x32x16384xf32, #tpu.memory_space<hbm>> -> memref<1x1x16384xf32, #tpu.memory_space<hbm>>
        %dma_start3A_66 = tpu.memref_squeeze %dma_start3A_65 : memref<1x1x16384xf32, #tpu.memory_space<hbm>> -> memref<16384xf32, #tpu.memory_space<hbm>>
        tpu.enqueue_dma source(%arg8 : memref<16384xf32, #tpu.memory_space<vmem>>) target(%dma_start3A_66 : memref<16384xf32, #tpu.memory_space<hbm>>) target_semaphore(%arg10 : memref<!tpu.dma_semaphore, #tpu.memory_space<semaphore_mem>>)
      } else {
      }
    }
    %scan3A_11 = arith.constant 200 : i32
    %dma_wait3A = arith.constant 0 : i32
    %dma_wait3A_12 = arith.constant 0 : i32
    %dma_wait3A_13 = tpu.memref_slice %arg4[%dma_wait3A, %add3A, %dma_wait3A_12] : memref<200x32x16384xf32, #tpu.memory_space<hbm>> -> memref<1x1x16384xf32, #tpu.memory_space<hbm>>
    %dma_wait3A_14 = tpu.memref_squeeze %dma_wait3A_13 : memref<1x1x16384xf32, #tpu.memory_space<hbm>> -> memref<16384xf32, #tpu.memory_space<hbm>>
    %dma_wait3A_15 = arith.constant 0 : i32
    %dma_wait3A_16 = tpu.memref_slice %arg4[%dma_wait3A, %add3A, %dma_wait3A_15] : memref<200x32x16384xf32, #tpu.memory_space<hbm>> -> memref<1x1x16384xf32, #tpu.memory_space<hbm>>
    %dma_wait3A_17 = tpu.memref_squeeze %dma_wait3A_16 : memref<1x1x16384xf32, #tpu.memory_space<hbm>> -> memref<16384xf32, #tpu.memory_space<hbm>>
    tpu.wait_dma2 semaphore(%arg10 : memref<!tpu.dma_semaphore, #tpu.memory_space<semaphore_mem>>) src(%arg6 : memref<16384xf32, #tpu.memory_space<vmem>>) dst(%dma_wait3A_17 : memref<16384xf32, #tpu.memory_space<hbm>>)
    %dma_wait3A_18 = arith.constant 0 : i32
    %dma_wait3A_19 = arith.constant 0 : i32
    %dma_wait3A_20 = tpu.memref_slice %arg4[%dma_wait3A_18, %add3A, %dma_wait3A_19] : memref<200x32x16384xf32, #tpu.memory_space<hbm>> -> memref<1x1x16384xf32, #tpu.memory_space<hbm>>
    %dma_wait3A_21 = tpu.memref_squeeze %dma_wait3A_20 : memref<1x1x16384xf32, #tpu.memory_space<hbm>> -> memref<16384xf32, #tpu.memory_space<hbm>>
    %dma_wait3A_22 = arith.constant 0 : i32
    %dma_wait3A_23 = tpu.memref_slice %arg4[%dma_wait3A_18, %add3A, %dma_wait3A_22] : memref<200x32x16384xf32, #tpu.memory_space<hbm>> -> memref<1x1x16384xf32, #tpu.memory_space<hbm>>
    %dma_wait3A_24 = tpu.memref_squeeze %dma_wait3A_23 : memref<1x1x16384xf32, #tpu.memory_space<hbm>> -> memref<16384xf32, #tpu.memory_space<hbm>>
    tpu.wait_dma2 semaphore(%arg10 : memref<!tpu.dma_semaphore, #tpu.memory_space<semaphore_mem>>) src(%arg6 : memref<16384xf32, #tpu.memory_space<vmem>>) dst(%dma_wait3A_24 : memref<16384xf32, #tpu.memory_space<hbm>>)
    return
  }
}

</mosaic_0001>

<sc_bundles>
// kernel: kernel.3.cloned.1.call-start
scs
__scs_entry_jumppad:
0x0: {  	(pc) =	sbr.rel $0x88, $3  }
0x1: {  	(tag) =	ssettag $0x0;
	lr =	simm.s32 $0x1  }
0x2: {  	[smem:$0x3F9F] =	sst lr;
	_ =	strace $0xD0000000  }
0x3: {  	_ = 	snop  }
0x4: {  	_ = 	snop  }
0x5: {  	_ = 	snop  }
0x6: {  	_ = 	snop  }
0x7: {  	_ = 	snop  }
__scs_overlays_trampoline_lowered:
0x8: {  	[smem:$0x3FAE] =	sst s0  }
0x9: {  	[smem:$0x3FAF] =	sst s1  }
0xa: {  	[smem:$0x3FB0] =	sst s2  }
0xb: {  	[smem:$0x3FB1] =	sst s3  }
0xc: {  	[smem:$0x3FB2] =	sst s4  }
0xd: {  	[smem:$0x3FB3] =	sst s5  }
0xe: {  	[smem:$0x3FB4] =	sst s6  }
0xf: {  	[smem:$0x3FB5] =	sst s7  }
0x10: {  	[smem:$0x3FB6] =	sst s8  }
0x11: {  	[smem:$0x3FB7] =	sst s9;
	s0 =	simm.s32 @!p0 $0x0  }
0x12: {  	s1 =	sld [smem:$0x3F9D];
	s0 =	simm.s32 @p0 $0x1  }
0x13: {  	[smem:$0x3FB8] =	sst s0;
	s0 =	simm.s32 @!p1 $0x0  }
0x14: {  	s2 =	sld [smem:$0x3F9C];
	s0 =	simm.s32 @p1 $0x1  }
0x15: {  	[smem:$0x3FB9] =	sst s0;
	s0 =	simm.s32 @!p2 $0x0  }
0x16: {  	s3 =	sld [smem:$0x3FDB];
	s0 =	simm.s32 @p2 $0x1  }
0x17: {  	s4 =	simm.s32 $0x1BF5;
	[smem:$0x3FBB] =	sst s0  }
0x18: {  	s0 =	sld [smem:$0x3F9E];
	_ =	swait.ge [sflag:s4], $0x0  }
0x19: {  	s7 =	sld [smem:$0x3F9F]  }
0x1a: {  	s8 =	sadd.s32 $0xFFFFE003, lr  }
0x1b: {  	s9 =	sadd.s32 $0xFFFFFEF7, lr;
	s5 =	simm.s32 $0xFFFFFFFF;
	p2 =	slt.u32 s8, $0xFFFFF086  }
0x1c: {  	p1 =	slt.u32 s9, $0xF7A;
	s5 =	simm.s32 @!p2 $0x0  }
0x1d: {  	s5 =	simm.s32 @p1 $0x1;
	p0 =	seq.s32 s7, s2  }
0x1e: {  	s7 =	smul.u32 @!p0 $0xF7A, s2;
	p2 =	seq.s32 @!p0 s5, $0x0  }
0x1f: {  	s9 =	smul.u32 $0xF7A, s1;
	s8 =	simm.s32 @!p0 $0x1BF5;
	p2 =	por !p2, p0  }
0x20: {  	[sflag:s8] =	ssyncset.s32 @!p0 $0xFFFFF086;
	s6 =	sadd.s32 @!p0 s3, s7;
	s7 =	simm.s32 @!p0 $0x108  }
0x21: {  	s3 =	sadd.s32 s3, s9;
	s6 =	sadd.s32 @!p0 $0x88, s6;
	s7 =	simm.s32 @p2 $0x1082  }
0x22: {  	[simem:s7], [sflag:s8] =	dma.local @!p0 [hbm:s6], $0xF7A  }
0x23: {  	s9 =	sor.u32 $0xD0000000, s2;
	s6 =	simm.s32 $0x108;
	_ =	swait.ge @!p0 [sflag:s8], $0x0  }
0x24: {  	s3 =	sadd.s32 $0x88, s3;
	s6 =	simm.s32 @!p1 $0x1082;
	[sflag:s4] =	ssyncset.s32 $0xFFFFF086  }
0x25: {  	[simem:s6], [sflag:s4] =	dma.local [hbm:s3], $0xF7A  }
0x26: {  	[smem:$0x3F9F] =	sst s1;
	(tag) =	ssettag s2;
	_ =	strace s9  }
0x27: {  	s1 =	sld [smem:$0x3FAF]  }
0x28: {  	s2 =	sld [smem:$0x3FB0]  }
0x29: {  	s4 =	sld [smem:$0x3FB2]  }
0x2a: {  	p0 =	seq.s32 s5, $0x0;
	s5 =	sld [smem:$0x3FB3]  }
0x2b: {  	s6 =	sld [smem:$0x3FB4]  }
0x2c: {  	s7 =	sld [smem:$0x3FB5]  }
0x2d: {  	s3 =	simm.s32 $0x108;
	s8 =	sld [smem:$0x3FB6]  }
0x2e: {  	s3 =	simm.s32 @!p0 $0x1082;
	s9 =	sld [smem:$0x3FB7]  }
0x2f: {  	lr =	sadd.s32 s0, s3;
	s0 =	sld [smem:$0x3FAE]  }
0x30: {  	s3 =	sld [smem:$0x3FB1]  }
0x31: {  	[smem:$0x3FBA] =	sst s10  }
0x32: {  	s10 =	sld [smem:$0x3FB8];
	_ =	sdelay $0x3  }
0x33: {  	p0 =	seq.s32 s10, $0x1;
	s10 =	sld [smem:$0x3FBA];
	_ =	sdelay $0x3  }
0x34: {  	[smem:$0x3FBA] =	sst s10  }
0x35: {  	s10 =	sld [smem:$0x3FB9];
	_ =	sdelay $0x3  }
0x36: {  	p1 =	seq.s32 s10, $0x1;
	s10 =	sld [smem:$0x3FBA];
	_ =	sdelay $0x3  }
0x37: {  	[smem:$0x3FBA] =	sst s10  }
0x38: {  	s10 =	sld [smem:$0x3FBB]  }
0x39: {  	_ = 	snop;
	(pc) =	sbr.ind lr, $3  }
0x3a: {  	_ = 	snop  }
0x3b: {  	_ = 	snop  }
0x3c: {  	p2 =	seq.s32 s10, $0x1;
	s10 =	sld [smem:$0x3FBA]  }
0x3d: {  	_ =	shalt  }
0x3e: {  	_ =	shalt  }
0x3f: {  	_ =	shalt  }
0x40: {  	_ =	shalt  }
0x41: {  	_ =	shalt  }
0x42: {  	_ =	shalt  }
0x43: {  	_ =	shalt  }
0x44: {  	_ =	shalt  }
0x45: {  	_ =	shalt  }
0x46: {  	_ =	shalt  }
0x47: {  	_ =	shalt  }
0x48: {  	_ =	shalt  }
0x49: {  	_ =	shalt  }
0x4a: {  	_ =	shalt  }
0x4b: {  	_ =	shalt  }
0x4c: {  	_ =	shalt  }
0x4d: {  	_ =	shalt  }
0x4e: {  	_ =	shalt  }
0x4f: {  	_ =	shalt  }
0x50: {  	_ =	shalt  }
0x51: {  	_ =	shalt  }
0x52: {  	_ =	shalt  }
0x53: {  	_ =	shalt  }
0x54: {  	_ =	shalt  }
0x55: {  	_ =	shalt  }
0x56: {  	_ =	shalt  }
0x57: {  	_ =	shalt  }
0x58: {  	_ =	shalt  }
0x59: {  	_ =	shalt  }
0x5a: {  	_ =	shalt  }
0x5b: {  	_ =	shalt  }
0x5c: {  	_ =	shalt  }
0x5d: {  	_ =	shalt  }
0x5e: {  	_ =	shalt  }
0x5f: {  	_ =	shalt  }
0x60: {  	_ =	shalt  }
0x61: {  	_ =	shalt  }
0x62: {  	_ =	shalt  }
0x63: {  	_ =	shalt  }
0x64: {  	_ =	shalt  }
0x65: {  	_ =	shalt  }
0x66: {  	_ =	shalt  }
0x67: {  	_ =	shalt  }
0x68: {  	_ =	shalt  }
0x69: {  	_ =	shalt  }
0x6a: {  	_ =	shalt  }
0x6b: {  	_ =	shalt  }
0x6c: {  	_ =	shalt  }
0x6d: {  	_ =	shalt  }
0x6e: {  	_ =	shalt  }
0x6f: {  	_ =	shalt  }
0x70: {  	_ =	shalt  }
0x71: {  	_ =	shalt  }
0x72: {  	_ =	shalt  }
0x73: {  	_ =	shalt  }
0x74: {  	_ =	shalt  }
0x75: {  	_ =	shalt  }
0x76: {  	_ =	shalt  }
0x77: {  	_ =	shalt  }
0x78: {  	_ =	shalt  }
0x79: {  	_ =	shalt  }
0x7a: {  	_ =	shalt  }
0x7b: {  	_ =	shalt  }
0x7c: {  	_ =	shalt  }
0x7d: {  	_ =	shalt  }
0x7e: {  	_ =	shalt  }
0x7f: {  	_ =	shalt  }
0x80: {  	_ =	shalt  }
0x81: {  	_ =	shalt  }
0x82: {  	_ =	shalt  }
0x83: {  	_ =	shalt  }
0x84: {  	_ =	shalt  }
0x85: {  	_ =	shalt  }
0x86: {  	_ =	shalt  }
0x87: {  	_ =	shalt  }
.Lfunc_end0:
.L_simem_size_0:
called_computation_lowered:
.L_overlay_start_0:
0x88: {  	s2 =	sld [smem:$0x3FD9]  }
0x89: {  	s3 =	sld [smem:$0x3FFE];
	_ =	sdelay $0x1  }
0x8a: {  	s1 =	srdreg.scid  }
0x8b: {  	s0 =	sand.u32 $0x1, s1  }
0x8c: {  	s17 =	sshll.u32 s0, $0xA;
	s2 =	sadd.s32 s3, s2  }
0x8d: {  	s2 =	sadd.s32 s2, s17  }
0x8e: {  	[smem:$0x3FC6] =	sst s2  }
0x8f: {  	_ = 	snop  }
0x90: {  	s2 =	sld [smem:$0x3FC8]  }
0x91: {  	s18 =	sld [smem:$0x3FD0];
	(tm) =	ssettm $0x1  }
0x92: {  	s4 =	sld [smem:$0x3FFB];
	_ =	sdelay $0x3  }
0x93: {  	_ =	strace s4  }
0x94: {  	s4 =	sld [smem:$0x3FFC];
	_ =	sdelay $0x3  }
0x95: {  	_ =	strace s4  }
0x96: {  	s4 =	sld [smem:$0x3FFD];
	_ =	sdelay $0x3  }
0x97: {  	_ =	strace s4  }
0x98: {  	_ =	strace $0x8FFFFFFF  }
0x99: {  	s19 =	sld [smem:$0x3FDB];
	_ =	sdelay $0x1  }
0x9a: {  	s5 =	simm.s32 $_scs_section_size  }
0x9b: {  	s6 =	simm.s32 $_size__tile_overlayer_lowered;
	s7 =	simm.s32 $_tile_overlayer_lowered  }
0x9c: {  	s22 =	simm.s32 $0x1BFF;
	s21 =	sshll.u32 s7, $0x1;
	s4 =	sadd.s32 s5, s19  }
0x9d: {  	s8 =	simm.s32 $0x0;
	s20 =	sshll.u32 s6, $0x1;
	s6 =	sadd.s32 s21, s4  }
0x9e: {  	[timem:s8], [sflag:s22] =	dma.local [hbm:s6], s20  }
0x9f: {  	_ =	swait.ge [sflag:s22], s20  }
0xa0: {  	s5 =	ssub.s32 $0x0, s20;
	[sflag:s22] =	ssyncset.done $0x0  }
0xa1: {  	[sflag:s22] =	ssyncadd.s32 s5;
	_ =	sdelay $0x1  }
0xa2: {  	s23 =	simm.s32 $0x1B8B  }
0xa3: {  	_ =	swait.ge [sflag:s23], $0x1  }
0xa4: {  	[sflag:s23] =	ssyncset.done $0x0  }
0xa5: {  	s25 =	simm.s32 $0x1B8E;
	s24 =	sld [smem:$0x3FFE];
	[sflag:s23] =	ssyncadd.s32 $0xFFFFFFFF  }
0xa6: {  	s26 =	simm.s32 $execute0_lowered;
	[smem:$0x3FD2] =	sst s25  }
0xa7: {  	s6 =	sshll.u32 s26, $0x1;
	_ =	strace $0x80000046;
	[dreg:$0x1] =	wrdreg $0xFFFFFFFF  }
0xa8: {  	s28 =	simm.s32 $_size_execute0_lowered;
	s4 =	sadd.s32 s4, s6;
	[dreg:$0x0] =	wrdreg $0x0  }
0xa9: {  	s6 =	sshll.u32 s28, $0x1;
	[dreg:$0x2] =	wrdreg s4  }
0xaa: {  	[dreg:$0x3] =	wrdreg s6  }
0xab: {  	[dreg:$0x4] =	wrdreg $0xC0  }
0xac: {  	_ =	task [dreg:s8], $0x5FFFF  }
0xad: {  	[dreg:$0x1] =	wrdreg $0xFFFFFFFF  }
0xae: {  	[dreg:$0x0] =	wrdreg $0x60  }
0xaf: {  	[dreg:$0x2] =	wrdreg s24  }
0xb0: {  	[dreg:$0x3] =	wrdreg s2  }
0xb1: {  	[dreg:$0x4] =	wrdreg s18  }
0xb2: {  	[dreg:$0x5] =	wrdreg $0x9  }
0xb3: {  	_ =	task.clear_ibuf [dreg:s8], $0x6FFFF;
	_ =	strace $0x90000046  }
0xb4: {  	s29 =	simm.s32 $0x9;
	_ =	strace $0x80000048  }
0xb5: {  	_ =	swait.ge [sflag:s29], $0x1  }
0xb6: {  	[sflag:s29] =	ssyncadd.s32 $0xFFFFFFFF  }
0xb7: {  	_ =	strace $0x90000048  }
0xb8: {  	_ =	sfence  }
0xb9: {  	s30 =	sld [smem:$0x0];
	_ =	sdelay $0x2  }
0xba: {  	s31 =	sshll.u32 s1, $0xD;
	s1 =	sshrl.u32 s1, $0x2  }
0xbb: {  	s3 =	sand.u32 $0x4000, s31;
	s1 =	sadd.s32 s1, s30  }
0xbc: {  	s0 =	sor.u32 s3, s0;
	s1 =	sshll.u32 s1, $0x11  }
0xbd: {  	s0 =	sor.u32 s1, s0  }
0xbe: {  	s0 =	sadd.s32 $0x8F2B, s0  }
0xbf: {  	[sflag:s0] =	ssyncadd.remote.s32 $0x1  }
0xc0: {  	_ =	sfence.sel $0xFFFF  }
0xc1: {  	[dreg:$0x0] =	wrdreg $0xFFFFFFFF;
	(pc) =	sbr.abs _section_cstart, $3  }
0xc2: {  	[dreg:$0x1] =	wrdreg $0xFFFFFFFF  }
0xc3: {  	_ =	task.clear_ibuf [dreg:s8], $0x2FFFF;
	_ =	strace $0x9FFFFFFF  }
0xc4: {  	(tm) =	ssettm $0x7FFFFFFF  }
0xc5: {  	_ =	shalt  }
tec
execute0_lowered:
.L_overlay_start_1:
0x0: {  	(tag) =	ssettag $0x1  }
0x1: {  	s5 =	rddreg [dreg:$0x0]  }
0x2: {  	s6 =	rddreg [dreg:$0x1]  }
0x3: {  	s2 =	rddreg [dreg:$0x2];
	s3 =	srdreg.scid  }
0x4: {  	s1 =	stileid.u32;
	s0 =	rddreg [dreg:$0x3]  }
0x5: {  	s11 =	simm.s32 $0x3;
	s12 =	simm.s32 $0x10000;
	s13 =	simm.s32 $0x2  }
0x6: {  	s14 =	simm.s32 $0x1;
	s15 =	simm.s32 $0x0;
	s7 =	sand.u32 $0x1, s3  }
0x7: {  	s30 =	sshll.u32 s1, $0x8;
	s8 =	sshrl.u32 s1, $0x2;
	s3 =	simm.s32 $0x0  }
0x8: {  	s5 =	sadd.s32 $0x400, s5;
	s4 =	sshll.u32 s7, $0x7;
	s9 =	sand.u32 $0x300, s30  }
.Ltmp0:
0x9: {  	s31 =	sshll.u32 s8, $0x13;
	s7 =	ssub.s32 $0x2, s7;
	(pc) =	sbr.rel .LBB2_1-.Ltmp0, $4  }
0xa: {  	[smem:$0x7FF] =	sst s3;
	s4 =	sor.u32 s4, s9;
	s10 =	sshrl.u32 s7, $0x1  }
0xb: {  	_ =	strace $0x80000047;
	s9 =	sor.u32 s31, s4;
	s10 =	ssub.s32 s7, s10  }
0xc: {  	s7 =	sshll.u32 s8, $0x11;
	s9 =	sshrl.u32 s9, $0x3;
	s8 =	smax.u32 s10, $0x1  }
0xd: {  	s10 =	simm.s32 $0x400;
	s6 =	sadd.s32 s6, s9;
	s9 =	simm.s32 $0x80  }
.LBB2_14:
0xe: {  	s15 =	sadd.s32 $0x1, s15  }
0xf: {  	_ =	swait.ge [sflag:s13], $0x4000;
	p0 =	sne.s32 s15, s8  }
.Ltmp1:
0x10: {  	[sflag:s13] =	ssyncset.done $0x0;
	(pc) =	sbr.rel @!p0 .LBB2_15-.Ltmp1, $4  }
0x11: {  	[sflag:s13] =	ssyncadd.s32 $0xFFFFC000  }
0x12: {  	_ =	swait.ge [sflag:s13], $0x4000  }
0x13: {  	[sflag:s13] =	ssyncset.done $0x0  }
0x14: {  	[sflag:s13] =	ssyncadd.s32 $0xFFFFC000  }
.LBB2_1:
0x15: {  	[tilespmem:s3], [sflag:$0x3] =	stream.strided.gather [hbm4b:s6+s9], $0x10000, s10, s9, $0x38;
	[tilespmem:$0x1C000] =	vst v63  }
.Ltmp2:
0x16: {  	_ = 	snop;
	(pc) =	sbr.rel .LBB2_2-.Ltmp2, $4  }
0x17: {  	_ =	swait.ge [sflag:s11], $0x10000  }
0x18: {  	[sflag:s11] =	ssyncset.done $0x0  }
0x19: {  	s16 =	simm.s32 $0x0;
	[sflag:s11] =	ssyncadd.s32 $0xFFFF0000  }
0x1a: {  	[tilespmem:s12], [sflag:$0x1] =	stream.strided.gather [hbm4b:s5+s9], $0x4000, s10, s9, $0x38;
	[tilespmem:$0x1C000] =	vst v63  }
.LBB2_13:
0x1b: {  	s18 =	sshll.u32 s16, $0x13;
	s16 =	sadd.s32 $0x1, s16  }
0x1c: {  	p0 =	sne.s32 s16, $0xC8  }
.Ltmp3:
0x1d: {  	s18 =	sor.u32 s18, s7;
	(pc) =	sbr.rel @!p0 .LBB2_14-.Ltmp3, $4  }
0x1e: {  	s18 =	sor.u32 s4, s18  }
0x1f: {  	s18 =	sshrl.u32 s18, $0x3  }
0x20: {  	s18 =	sadd.s32 s2, s18  }
0x21: {  	[hbm4b:s18+s9] =	stream.strided.scatter [tilespmem:s17], [sflag:$0x2], $0x4000, s10, s9, $0x38;
	[tilespmem:$0x1C000] =	vst v63  }
.LBB2_2:
0x22: {  	s17 =	smul.u32 $0xAB, s16;
	_ =	sdelay $0x1  }
0x23: {  	s17 =	sshrl.u32 s17, $0x9  }
0x24: {  	s17 =	sand.u32 $0x7F, s17  }
0x25: {  	s17 =	smul.u32 $0x3, s17;
	_ =	sdelay $0x1  }
0x26: {  	s17 =	ssub.s32 s16, s17  }
0x27: {  	s17 =	sand.u32 $0xFF, s17  }
0x28: {  	p0 =	seq.s32 s17, $0x2  }
.Ltmp4:
0x29: {  	_ = 	snop;
	(pc) =	sbr.rel @p0 .LBB2_10-.Ltmp4, $1  }
0x2a: {  	_ =	sdelay $0x3  }
0x2b: {  	p0 =	seq.s32 s17, $0x1  }
.Ltmp5:
0x2c: {  	_ = 	snop;
	(pc) =	sbr.rel @!p0 .LBB2_4-.Ltmp5, $2  }
0x2d: {  	_ =	sdelay $0x2  }
0x2e: {  	p1 =	slt.u32 s16, $0x2  }
0x2f: {  	s17 =	simm.s32 @!p1 $0x2  }
0x30: {  	p0 =	seq.s32 s16, $0xC7;
	_ =	swait.ge @!p1 [sflag:s17], $0x4000  }
0x31: {  	s18 =	sadd.s32 @!p0 $0x1, s16;
	s19 =	simm.s32 @!p0 $0x400;
	[sflag:s17] =	ssyncset.done @!p1 $0x0  }
0x32: {  	s20 =	simm.s32 @!p0 $0x18000;
	[sflag:s17] =	ssyncadd.s32 @!p1 $0xFFFFC000;
	s17 =	sshll.u32 @!p0 s18, $0x4  }
0x33: {  	s18 =	sshll.u32 @!p0 s18, $0xB;
	_ =	swait.ge [sflag:s14], $0x4000;
	s17 =	sand.u32 @!p0 $0x70, s17  }
0x34: {  	s18 =	sand.u32 @!p0 $0xFC000, s18;
	[sflag:s14] =	ssyncset.done $0x0;
	s17 =	sadd.s32 @!p0 s5, s17  }
0x35: {  	[sflag:s14] =	ssyncadd.s32 $0xFFFFC000;
	s17 =	sadd.s32 @!p0 s18, s17;
	s18 =	simm.s32 @!p0 $0x80  }
0x36: {  	[tilespmem:s20], [sflag:$0x1] =	stream.strided.gather @!p0 [hbm4b:s17+s18], $0x4000, s19, s18, $0x38;
	[tilespmem:$0x1C000] =	vst v63  }
0x37: {  	s17 =	simm.s32 $0x14080  }
0x38: {  	v0 =	vld [tilespmem:s17+$0x70]  }
0x39: {  	v1 =	vld [tilespmem:s17+$0xFFFFFF90]  }
0x3a: {  	v2 =	vld [tilespmem:s17+$0xFFFFFFA0]  }
0x3b: {  	v3 =	vld [tilespmem:s17+$0xFFFFFFB0]  }
0x3c: {  	v4 =	vld [tilespmem:s17+$0xFFFFFFC0]  }
0x3d: {  	v5 =	vld [tilespmem:s17+$0xFFFFFFD0]  }
0x3e: {  	v6 =	vld [tilespmem:s17+$0xFFFFFFE0]  }
0x3f: {  	v7 =	vld [tilespmem:s17+$0xFFFFFFF0]  }
0x40: {  	v8 =	vld [tilespmem:s17+$0x0]  }
0x41: {  	v9 =	vld [tilespmem:s17+$0x10]  }
0x42: {  	v10 =	vld [tilespmem:s17+$0x20]  }
0x43: {  	v11 =	vld [tilespmem:s17+$0x30];
	v0 =	vand.u32 $0xFFFF, v0  }
0x44: {  	v12 =	vld [tilespmem:s17+$0x40];
	v1 =	vand.u32 $0xFFFF, v1  }
0x45: {  	v13 =	vld [tilespmem:s17+$0x50];
	v2 =	vand.u32 $0xFFFF, v2  }
0x46: {  	v14 =	vld [tilespmem:s17+$0x60];
	v3 =	vand.u32 $0xFFFF, v3  }
0x47: {  	v15 =	vld [tilespmem:s17+$0xFFFFFF80];
	v4 =	vand.u32 $0xFFFF, v4  }
0x48: {  	v5 =	vand.u32 $0xFFFF, v5;
	v0 =	vld.idx.msk [tilespmem:v0+s3+$0x0], $0xffff  }
0x49: {  	v6 =	vand.u32 $0xFFFF, v6;
	v1 =	vld.idx.msk [tilespmem:v1+s3+$0x0], $0xffff  }
0x4a: {  	v7 =	vand.u32 $0xFFFF, v7;
	v2 =	vld.idx.msk [tilespmem:v2+s3+$0x0], $0xffff  }
0x4b: {  	v8 =	vand.u32 $0xFFFF, v8;
	v3 =	vld.idx.msk [tilespmem:v3+s3+$0x0], $0xffff  }
0x4c: {  	v9 =	vand.u32 $0xFFFF, v9;
	v4 =	vld.idx.msk [tilespmem:v4+s3+$0x0], $0xffff  }
0x4d: {  	v15 =	vand.u32 $0xFFFF, v15;
	v5 =	vld.idx.msk [tilespmem:v5+s3+$0x0], $0xffff  }
0x4e: {  	v10 =	vand.u32 $0xFFFF, v10;
	v6 =	vld.idx.msk [tilespmem:v6+s3+$0x0], $0xffff;
	[tilespmem:s17+$0x70] =	vst v0  }
0x4f: {  	v11 =	vand.u32 $0xFFFF, v11;
	v7 =	vld.idx.msk [tilespmem:v7+s3+$0x0], $0xffff;
	[tilespmem:s17+$0xFFFFFF90] =	vst v1  }
0x50: {  	v12 =	vand.u32 $0xFFFF, v12;
	v8 =	vld.idx.msk [tilespmem:v8+s3+$0x0], $0xffff;
	[tilespmem:s17+$0xFFFFFFA0] =	vst v2  }
0x51: {  	v13 =	vand.u32 $0xFFFF, v13;
	v9 =	vld.idx.msk [tilespmem:v9+s3+$0x0], $0xffff;
	[tilespmem:s17+$0xFFFFFFB0] =	vst v3  }
0x52: {  	v14 =	vand.u32 $0xFFFF, v14;
	v0 =	vld.idx.msk [tilespmem:v15+s3+$0x0], $0xffff;
	[tilespmem:s17+$0xFFFFFFC0] =	vst v4  }
0x53: {  	[tilespmem:s17+$0xFFFFFFD0] =	vst v5;
	v1 =	vld.idx.msk [tilespmem:v10+s3+$0x0], $0xffff  }
0x54: {  	[tilespmem:s17+$0xFFFFFFE0] =	vst v6;
	v2 =	vld.idx.msk [tilespmem:v11+s3+$0x0], $0xffff  }
0x55: {  	[tilespmem:s17+$0xFFFFFFF0] =	vst v7;
	v3 =	vld.idx.msk [tilespmem:v12+s3+$0x0], $0xffff  }
0x56: {  	[tilespmem:s17+$0x0] =	vst v8;
	v4 =	vld.idx.msk [tilespmem:v13+s3+$0x0], $0xffff  }
0x57: {  	s18 =	simm.s32 $0x0;
	s19 =	simm.s32 $0x14180;
	[tilespmem:s17+$0x10] =	vst v9;
	v5 =	vld.idx.msk [tilespmem:v14+s3+$0x0], $0xffff  }
.LBB2_8:
0x58: {  	v6 =	vld [tilespmem:s19+$0x70];
	s18 =	sadd.s32 $0x10, s18;
	[tilespmem:s17+$0xFFFFFF80] =	vst v0  }
0x59: {  	v0 =	vld [tilespmem:s19+$0xFFFFFF90];
	p0 =	slt.u32 s18, $0x3F0;
	[tilespmem:s17+$0x20] =	vst v1  }
0x5a: {  	v1 =	vld [tilespmem:s19+$0xFFFFFFA0];
	[tilespmem:s17+$0x30] =	vst v2  }
0x5b: {  	v2 =	vld [tilespmem:s19+$0xFFFFFFB0];
	[tilespmem:s17+$0x40] =	vst v3  }
0x5c: {  	v3 =	vld [tilespmem:s19+$0xFFFFFFC0];
	[tilespmem:s17+$0x50] =	vst v4  }
0x5d: {  	v4 =	vld [tilespmem:s19+$0xFFFFFFD0];
	v6 =	vand.u32 $0xFFFF, v6;
	[tilespmem:s17+$0x60] =	vst v5;
	s17 =	smov.u32 s19  }
0x5e: {  	v0 =	vand.u32 $0xFFFF, v0;
	v5 =	vld [tilespmem:s19+$0xFFFFFFE0]  }
0x5f: {  	v1 =	vand.u32 $0xFFFF, v1;
	v7 =	vld [tilespmem:s19+$0xFFFFFFF0]  }
0x60: {  	v2 =	vand.u32 $0xFFFF, v2;
	v8 =	vld [tilespmem:s19+$0x0]  }
0x61: {  	v3 =	vand.u32 $0xFFFF, v3;
	v9 =	vld [tilespmem:s19+$0x10]  }
0x62: {  	v4 =	vand.u32 $0xFFFF, v4;
	v6 =	vld.idx.msk [tilespmem:v6+s3+$0x0], $0xffff  }
0x63: {  	v5 =	vand.u32 $0xFFFF, v5;
	v10 =	vld [tilespmem:s19+$0x20]  }
0x64: {  	v7 =	vand.u32 $0xFFFF, v7;
	v11 =	vld [tilespmem:s19+$0x30]  }
0x65: {  	v8 =	vand.u32 $0xFFFF, v8;
	v12 =	vld [tilespmem:s19+$0x40]  }
0x66: {  	v9 =	vand.u32 $0xFFFF, v9;
	v13 =	vld [tilespmem:s19+$0x50]  }
0x67: {  	v14 =	vld [tilespmem:s19+$0x60]  }
0x68: {  	v15 =	vld [tilespmem:s19+$0xFFFFFF80];
	v10 =	vand.u32 $0xFFFF, v10;
	[tilespmem:s19+$0x70] =	vst v6  }
0x69: {  	v0 =	vld.idx.msk [tilespmem:v0+s3+$0x0], $0xffff;
	v6 =	vand.u32 $0xFFFF, v11  }
0x6a: {  	v1 =	vld.idx.msk [tilespmem:v1+s3+$0x0], $0xffff;
	v11 =	vand.u32 $0xFFFF, v12  }
0x6b: {  	v2 =	vld.idx.msk [tilespmem:v2+s3+$0x0], $0xffff;
	v12 =	vand.u32 $0xFFFF, v13  }
0x6c: {  	v3 =	vld.idx.msk [tilespmem:v3+s3+$0x0], $0xffff;
	v13 =	vand.u32 $0xFFFF, v14  }
0x6d: {  	v14 =	vand.u32 $0xFFFF, v15;
	v4 =	vld.idx.msk [tilespmem:v4+s3+$0x0], $0xffff  }
0x6e: {  	v5 =	vld.idx.msk [tilespmem:v5+s3+$0x0], $0xffff  }
0x6f: {  	[tilespmem:s19+$0xFFFFFF90] =	vst v0;
	v7 =	vld.idx.msk [tilespmem:v7+s3+$0x0], $0xffff  }
0x70: {  	[tilespmem:s19+$0xFFFFFFA0] =	vst v1;
	v8 =	vld.idx.msk [tilespmem:v8+s3+$0x0], $0xffff  }
0x71: {  	[tilespmem:s19+$0xFFFFFFB0] =	vst v2;
	v9 =	vld.idx.msk [tilespmem:v9+s3+$0x0], $0xffff  }
0x72: {  	v0 =	vld.idx.msk [tilespmem:v14+s3+$0x0], $0xffff;
	[tilespmem:s19+$0xFFFFFFC0] =	vst v3  }
.Ltmp6:
0x73: {  	[tilespmem:s19+$0xFFFFFFD0] =	vst v4;
	v1 =	vld.idx.msk [tilespmem:v10+s3+$0x0], $0xffff;
	(pc) =	sbr.rel @p0 .LBB2_8-.Ltmp6, $4  }
0x74: {  	[tilespmem:s19+$0xFFFFFFE0] =	vst v5;
	v2 =	vld.idx.msk [tilespmem:v6+s3+$0x0], $0xffff  }
0x75: {  	[tilespmem:s19+$0xFFFFFFF0] =	vst v7;
	v3 =	vld.idx.msk [tilespmem:v11+s3+$0x0], $0xffff  }
0x76: {  	[tilespmem:s19+$0x0] =	vst v8;
	v4 =	vld.idx.msk [tilespmem:v12+s3+$0x0], $0xffff  }
0x77: {  	s19 =	sadd.s32 $0x100, s19;
	[tilespmem:s17+$0x10] =	vst v9;
	v5 =	vld.idx.msk [tilespmem:v13+s3+$0x0], $0xffff  }
0x78: {  	[tilespmem:s17+$0xFFFFFF80] =	vst v0  }
.Ltmp7:
0x79: {  	[tilespmem:s17+$0x20] =	vst v1;
	(pc) =	sbr.rel .LBB2_13-.Ltmp7, $4  }
0x7a: {  	[tilespmem:s17+$0x30] =	vst v2  }
0x7b: {  	[tilespmem:s17+$0x40] =	vst v3  }
0x7c: {  	[tilespmem:s17+$0x50] =	vst v4  }
0x7d: {  	[tilespmem:s17+$0x60] =	vst v5;
	s17 =	simm.s32 $0x14000  }
.LBB2_10:
0x7e: {  	_ =	swait.ge [sflag:s13], $0x4000;
	p0 =	seq.s32 s16, $0xC7  }
0x7f: {  	[sflag:s13] =	ssyncset.done $0x0;
	s17 =	sadd.s32 @!p0 $0x1, s16;
	s19 =	simm.s32 @!p0 $0x400  }
0x80: {  	s20 =	simm.s32 @!p0 $0x10000;
	[sflag:s13] =	ssyncadd.s32 $0xFFFFC000;
	s18 =	sshll.u32 @!p0 s17, $0x4  }
0x81: {  	s17 =	sshll.u32 @!p0 s17, $0xB;
	_ =	swait.ge [sflag:s14], $0x4000;
	s18 =	sand.u32 @!p0 $0x70, s18  }
0x82: {  	s17 =	sand.u32 @!p0 $0xFC000, s17;
	[sflag:s14] =	ssyncset.done $0x0;
	s18 =	sadd.s32 @!p0 s5, s18  }
0x83: {  	[sflag:s14] =	ssyncadd.s32 $0xFFFFC000;
	s17 =	sadd.s32 @!p0 s17, s18;
	s18 =	simm.s32 @!p0 $0x80  }
0x84: {  	[tilespmem:s20], [sflag:$0x1] =	stream.strided.gather @!p0 [hbm4b:s17+s18], $0x4000, s19, s18, $0x38;
	[tilespmem:$0x1C000] =	vst v63  }
0x85: {  	s17 =	simm.s32 $0x18080  }
0x86: {  	v0 =	vld [tilespmem:s17+$0x70]  }
0x87: {  	v1 =	vld [tilespmem:s17+$0xFFFFFF90]  }
0x88: {  	v2 =	vld [tilespmem:s17+$0xFFFFFFA0]  }
0x89: {  	v3 =	vld [tilespmem:s17+$0xFFFFFFB0]  }
0x8a: {  	v4 =	vld [tilespmem:s17+$0xFFFFFFC0]  }
0x8b: {  	v5 =	vld [tilespmem:s17+$0xFFFFFFD0]  }
0x8c: {  	v6 =	vld [tilespmem:s17+$0xFFFFFFE0]  }
0x8d: {  	v7 =	vld [tilespmem:s17+$0xFFFFFFF0]  }
0x8e: {  	v8 =	vld [tilespmem:s17+$0x0]  }
0x8f: {  	v9 =	vld [tilespmem:s17+$0x10]  }
0x90: {  	v10 =	vld [tilespmem:s17+$0x20]  }
0x91: {  	v11 =	vld [tilespmem:s17+$0x30];
	v0 =	vand.u32 $0xFFFF, v0  }
0x92: {  	v12 =	vld [tilespmem:s17+$0x40];
	v1 =	vand.u32 $0xFFFF, v1  }
0x93: {  	v13 =	vld [tilespmem:s17+$0x50];
	v2 =	vand.u32 $0xFFFF, v2  }
0x94: {  	v14 =	vld [tilespmem:s17+$0x60];
	v3 =	vand.u32 $0xFFFF, v3  }
0x95: {  	v15 =	vld [tilespmem:s17+$0xFFFFFF80];
	v4 =	vand.u32 $0xFFFF, v4  }
0x96: {  	v5 =	vand.u32 $0xFFFF, v5;
	v0 =	vld.idx.msk [tilespmem:v0+s3+$0x0], $0xffff  }
0x97: {  	v6 =	vand.u32 $0xFFFF, v6;
	v1 =	vld.idx.msk [tilespmem:v1+s3+$0x0], $0xffff  }
0x98: {  	v7 =	vand.u32 $0xFFFF, v7;
	v2 =	vld.idx.msk [tilespmem:v2+s3+$0x0], $0xffff  }
0x99: {  	v8 =	vand.u32 $0xFFFF, v8;
	v3 =	vld.idx.msk [tilespmem:v3+s3+$0x0], $0xffff  }
0x9a: {  	v9 =	vand.u32 $0xFFFF, v9;
	v4 =	vld.idx.msk [tilespmem:v4+s3+$0x0], $0xffff  }
0x9b: {  	v15 =	vand.u32 $0xFFFF, v15;
	v5 =	vld.idx.msk [tilespmem:v5+s3+$0x0], $0xffff  }
0x9c: {  	v10 =	vand.u32 $0xFFFF, v10;
	v6 =	vld.idx.msk [tilespmem:v6+s3+$0x0], $0xffff;
	[tilespmem:s17+$0x70] =	vst v0  }
0x9d: {  	v11 =	vand.u32 $0xFFFF, v11;
	v7 =	vld.idx.msk [tilespmem:v7+s3+$0x0], $0xffff;
	[tilespmem:s17+$0xFFFFFF90] =	vst v1  }
0x9e: {  	v12 =	vand.u32 $0xFFFF, v12;
	v8 =	vld.idx.msk [tilespmem:v8+s3+$0x0], $0xffff;
	[tilespmem:s17+$0xFFFFFFA0] =	vst v2  }
0x9f: {  	v13 =	vand.u32 $0xFFFF, v13;
	v9 =	vld.idx.msk [tilespmem:v9+s3+$0x0], $0xffff;
	[tilespmem:s17+$0xFFFFFFB0] =	vst v3  }
0xa0: {  	v14 =	vand.u32 $0xFFFF, v14;
	v0 =	vld.idx.msk [tilespmem:v15+s3+$0x0], $0xffff;
	[tilespmem:s17+$0xFFFFFFC0] =	vst v4  }
0xa1: {  	[tilespmem:s17+$0xFFFFFFD0] =	vst v5;
	v1 =	vld.idx.msk [tilespmem:v10+s3+$0x0], $0xffff  }
0xa2: {  	[tilespmem:s17+$0xFFFFFFE0] =	vst v6;
	v2 =	vld.idx.msk [tilespmem:v11+s3+$0x0], $0xffff  }
0xa3: {  	[tilespmem:s17+$0xFFFFFFF0] =	vst v7;
	v3 =	vld.idx.msk [tilespmem:v12+s3+$0x0], $0xffff  }
0xa4: {  	[tilespmem:s17+$0x0] =	vst v8;
	v4 =	vld.idx.msk [tilespmem:v13+s3+$0x0], $0xffff  }
0xa5: {  	s18 =	simm.s32 $0x0;
	s19 =	simm.s32 $0x18180;
	[tilespmem:s17+$0x10] =	vst v9;
	v5 =	vld.idx.msk [tilespmem:v14+s3+$0x0], $0xffff  }
.LBB2_11:
0xa6: {  	v6 =	vld [tilespmem:s19+$0x70];
	s18 =	sadd.s32 $0x10, s18;
	[tilespmem:s17+$0xFFFFFF80] =	vst v0  }
0xa7: {  	v0 =	vld [tilespmem:s19+$0xFFFFFF90];
	p0 =	slt.u32 s18, $0x3F0;
	[tilespmem:s17+$0x20] =	vst v1  }
0xa8: {  	v1 =	vld [tilespmem:s19+$0xFFFFFFA0];
	[tilespmem:s17+$0x30] =	vst v2  }
0xa9: {  	v2 =	vld [tilespmem:s19+$0xFFFFFFB0];
	[tilespmem:s17+$0x40] =	vst v3  }
0xaa: {  	v3 =	vld [tilespmem:s19+$0xFFFFFFC0];
	[tilespmem:s17+$0x50] =	vst v4  }
0xab: {  	v4 =	vld [tilespmem:s19+$0xFFFFFFD0];
	v6 =	vand.u32 $0xFFFF, v6;
	[tilespmem:s17+$0x60] =	vst v5;
	s17 =	smov.u32 s19  }
0xac: {  	v0 =	vand.u32 $0xFFFF, v0;
	v5 =	vld [tilespmem:s19+$0xFFFFFFE0]  }
0xad: {  	v1 =	vand.u32 $0xFFFF, v1;
	v7 =	vld [tilespmem:s19+$0xFFFFFFF0]  }
0xae: {  	v2 =	vand.u32 $0xFFFF, v2;
	v8 =	vld [tilespmem:s19+$0x0]  }
0xaf: {  	v3 =	vand.u32 $0xFFFF, v3;
	v9 =	vld [tilespmem:s19+$0x10]  }
0xb0: {  	v4 =	vand.u32 $0xFFFF, v4;
	v6 =	vld.idx.msk [tilespmem:v6+s3+$0x0], $0xffff  }
0xb1: {  	v5 =	vand.u32 $0xFFFF, v5;
	v10 =	vld [tilespmem:s19+$0x20]  }
0xb2: {  	v7 =	vand.u32 $0xFFFF, v7;
	v11 =	vld [tilespmem:s19+$0x30]  }
0xb3: {  	v8 =	vand.u32 $0xFFFF, v8;
	v12 =	vld [tilespmem:s19+$0x40]  }
0xb4: {  	v9 =	vand.u32 $0xFFFF, v9;
	v13 =	vld [tilespmem:s19+$0x50]  }
0xb5: {  	v14 =	vld [tilespmem:s19+$0x60]  }
0xb6: {  	v15 =	vld [tilespmem:s19+$0xFFFFFF80];
	v10 =	vand.u32 $0xFFFF, v10;
	[tilespmem:s19+$0x70] =	vst v6  }
0xb7: {  	v0 =	vld.idx.msk [tilespmem:v0+s3+$0x0], $0xffff;
	v6 =	vand.u32 $0xFFFF, v11  }
0xb8: {  	v1 =	vld.idx.msk [tilespmem:v1+s3+$0x0], $0xffff;
	v11 =	vand.u32 $0xFFFF, v12  }
0xb9: {  	v2 =	vld.idx.msk [tilespmem:v2+s3+$0x0], $0xffff;
	v12 =	vand.u32 $0xFFFF, v13  }
0xba: {  	v3 =	vld.idx.msk [tilespmem:v3+s3+$0x0], $0xffff;
	v13 =	vand.u32 $0xFFFF, v14  }
0xbb: {  	v14 =	vand.u32 $0xFFFF, v15;
	v4 =	vld.idx.msk [tilespmem:v4+s3+$0x0], $0xffff  }
0xbc: {  	v5 =	vld.idx.msk [tilespmem:v5+s3+$0x0], $0xffff  }
0xbd: {  	[tilespmem:s19+$0xFFFFFF90] =	vst v0;
	v7 =	vld.idx.msk [tilespmem:v7+s3+$0x0], $0xffff  }
0xbe: {  	[tilespmem:s19+$0xFFFFFFA0] =	vst v1;
	v8 =	vld.idx.msk [tilespmem:v8+s3+$0x0], $0xffff  }
0xbf: {  	[tilespmem:s19+$0xFFFFFFB0] =	vst v2;
	v9 =	vld.idx.msk [tilespmem:v9+s3+$0x0], $0xffff  }
0xc0: {  	v0 =	vld.idx.msk [tilespmem:v14+s3+$0x0], $0xffff;
	[tilespmem:s19+$0xFFFFFFC0] =	vst v3  }
.Ltmp8:
0xc1: {  	[tilespmem:s19+$0xFFFFFFD0] =	vst v4;
	v1 =	vld.idx.msk [tilespmem:v10+s3+$0x0], $0xffff;
	(pc) =	sbr.rel @p0 .LBB2_11-.Ltmp8, $4  }
0xc2: {  	[tilespmem:s19+$0xFFFFFFE0] =	vst v5;
	v2 =	vld.idx.msk [tilespmem:v6+s3+$0x0], $0xffff  }
0xc3: {  	[tilespmem:s19+$0xFFFFFFF0] =	vst v7;
	v3 =	vld.idx.msk [tilespmem:v11+s3+$0x0], $0xffff  }
0xc4: {  	[tilespmem:s19+$0x0] =	vst v8;
	v4 =	vld.idx.msk [tilespmem:v12+s3+$0x0], $0xffff  }
0xc5: {  	s19 =	sadd.s32 $0x100, s19;
	[tilespmem:s17+$0x10] =	vst v9;
	v5 =	vld.idx.msk [tilespmem:v13+s3+$0x0], $0xffff  }
0xc6: {  	[tilespmem:s17+$0xFFFFFF80] =	vst v0  }
.Ltmp9:
0xc7: {  	[tilespmem:s17+$0x20] =	vst v1;
	(pc) =	sbr.rel .LBB2_13-.Ltmp9, $4  }
0xc8: {  	[tilespmem:s17+$0x30] =	vst v2  }
0xc9: {  	[tilespmem:s17+$0x40] =	vst v3  }
0xca: {  	[tilespmem:s17+$0x50] =	vst v4  }
0xcb: {  	[tilespmem:s17+$0x60] =	vst v5;
	s17 =	simm.s32 $0x18000  }
.LBB2_4:
0xcc: {  	s17 =	simm.s32 @!p1 $0x2  }
0xcd: {  	p0 =	seq.s32 s16, $0xC7;
	_ =	swait.ge @!p1 [sflag:s17], $0x4000  }
0xce: {  	s18 =	sadd.s32 @!p0 $0x1, s16;
	s19 =	simm.s32 @!p0 $0x400;
	[sflag:s17] =	ssyncset.done @!p1 $0x0  }
0xcf: {  	s20 =	simm.s32 @!p0 $0x14000;
	[sflag:s17] =	ssyncadd.s32 @!p1 $0xFFFFC000;
	s17 =	sshll.u32 @!p0 s18, $0x4  }
0xd0: {  	s18 =	sshll.u32 @!p0 s18, $0xB;
	_ =	swait.ge [sflag:s14], $0x4000;
	s17 =	sand.u32 @!p0 $0x70, s17  }
0xd1: {  	s18 =	sand.u32 @!p0 $0xFC000, s18;
	[sflag:s14] =	ssyncset.done $0x0;
	s17 =	sadd.s32 @!p0 s5, s17  }
0xd2: {  	[sflag:s14] =	ssyncadd.s32 $0xFFFFC000;
	s17 =	sadd.s32 @!p0 s18, s17;
	s18 =	simm.s32 @!p0 $0x80  }
0xd3: {  	[tilespmem:s20], [sflag:$0x1] =	stream.strided.gather @!p0 [hbm4b:s17+s18], $0x4000, s19, s18, $0x38;
	[tilespmem:$0x1C000] =	vst v63  }
0xd4: {  	s17 =	simm.s32 $0x10080  }
0xd5: {  	v0 =	vld [tilespmem:s17+$0x70]  }
0xd6: {  	v1 =	vld [tilespmem:s17+$0xFFFFFF90]  }
0xd7: {  	v2 =	vld [tilespmem:s17+$0xFFFFFFA0]  }
0xd8: {  	v3 =	vld [tilespmem:s17+$0xFFFFFFB0]  }
0xd9: {  	v4 =	vld [tilespmem:s17+$0xFFFFFFC0]  }
0xda: {  	v5 =	vld [tilespmem:s17+$0xFFFFFFD0]  }
0xdb: {  	v6 =	vld [tilespmem:s17+$0xFFFFFFE0]  }
0xdc: {  	v7 =	vld [tilespmem:s17+$0xFFFFFFF0]  }
0xdd: {  	v8 =	vld [tilespmem:s17+$0x0]  }
0xde: {  	v9 =	vld [tilespmem:s17+$0x10]  }
0xdf: {  	v10 =	vld [tilespmem:s17+$0x20]  }
0xe0: {  	v11 =	vld [tilespmem:s17+$0x30];
	v0 =	vand.u32 $0xFFFF, v0  }
0xe1: {  	v12 =	vld [tilespmem:s17+$0x40];
	v1 =	vand.u32 $0xFFFF, v1  }
0xe2: {  	v13 =	vld [tilespmem:s17+$0x50];
	v2 =	vand.u32 $0xFFFF, v2  }
0xe3: {  	v14 =	vld [tilespmem:s17+$0x60];
	v3 =	vand.u32 $0xFFFF, v3  }
0xe4: {  	v15 =	vld [tilespmem:s17+$0xFFFFFF80];
	v4 =	vand.u32 $0xFFFF, v4  }
0xe5: {  	v5 =	vand.u32 $0xFFFF, v5;
	v0 =	vld.idx.msk [tilespmem:v0+s3+$0x0], $0xffff  }
0xe6: {  	v6 =	vand.u32 $0xFFFF, v6;
	v1 =	vld.idx.msk [tilespmem:v1+s3+$0x0], $0xffff  }
0xe7: {  	v7 =	vand.u32 $0xFFFF, v7;
	v2 =	vld.idx.msk [tilespmem:v2+s3+$0x0], $0xffff  }
0xe8: {  	v8 =	vand.u32 $0xFFFF, v8;
	v3 =	vld.idx.msk [tilespmem:v3+s3+$0x0], $0xffff  }
0xe9: {  	v9 =	vand.u32 $0xFFFF, v9;
	v4 =	vld.idx.msk [tilespmem:v4+s3+$0x0], $0xffff  }
0xea: {  	v15 =	vand.u32 $0xFFFF, v15;
	v5 =	vld.idx.msk [tilespmem:v5+s3+$0x0], $0xffff  }
0xeb: {  	v10 =	vand.u32 $0xFFFF, v10;
	v6 =	vld.idx.msk [tilespmem:v6+s3+$0x0], $0xffff;
	[tilespmem:s17+$0x70] =	vst v0  }
0xec: {  	v11 =	vand.u32 $0xFFFF, v11;
	v7 =	vld.idx.msk [tilespmem:v7+s3+$0x0], $0xffff;
	[tilespmem:s17+$0xFFFFFF90] =	vst v1  }
0xed: {  	v12 =	vand.u32 $0xFFFF, v12;
	v8 =	vld.idx.msk [tilespmem:v8+s3+$0x0], $0xffff;
	[tilespmem:s17+$0xFFFFFFA0] =	vst v2  }
0xee: {  	v13 =	vand.u32 $0xFFFF, v13;
	v9 =	vld.idx.msk [tilespmem:v9+s3+$0x0], $0xffff;
	[tilespmem:s17+$0xFFFFFFB0] =	vst v3  }
0xef: {  	v14 =	vand.u32 $0xFFFF, v14;
	v0 =	vld.idx.msk [tilespmem:v15+s3+$0x0], $0xffff;
	[tilespmem:s17+$0xFFFFFFC0] =	vst v4  }
0xf0: {  	[tilespmem:s17+$0xFFFFFFD0] =	vst v5;
	v1 =	vld.idx.msk [tilespmem:v10+s3+$0x0], $0xffff  }
0xf1: {  	[tilespmem:s17+$0xFFFFFFE0] =	vst v6;
	v2 =	vld.idx.msk [tilespmem:v11+s3+$0x0], $0xffff  }
0xf2: {  	[tilespmem:s17+$0xFFFFFFF0] =	vst v7;
	v3 =	vld.idx.msk [tilespmem:v12+s3+$0x0], $0xffff  }
0xf3: {  	[tilespmem:s17+$0x0] =	vst v8;
	v4 =	vld.idx.msk [tilespmem:v13+s3+$0x0], $0xffff  }
0xf4: {  	s18 =	simm.s32 $0x0;
	s19 =	simm.s32 $0x10180;
	[tilespmem:s17+$0x10] =	vst v9;
	v5 =	vld.idx.msk [tilespmem:v14+s3+$0x0], $0xffff  }
.LBB2_5:
0xf5: {  	v6 =	vld [tilespmem:s19+$0x70];
	s18 =	sadd.s32 $0x10, s18;
	[tilespmem:s17+$0xFFFFFF80] =	vst v0  }
0xf6: {  	v0 =	vld [tilespmem:s19+$0xFFFFFF90];
	p0 =	slt.u32 s18, $0x3F0;
	[tilespmem:s17+$0x20] =	vst v1  }
0xf7: {  	v1 =	vld [tilespmem:s19+$0xFFFFFFA0];
	[tilespmem:s17+$0x30] =	vst v2  }
0xf8: {  	v2 =	vld [tilespmem:s19+$0xFFFFFFB0];
	[tilespmem:s17+$0x40] =	vst v3  }
0xf9: {  	v3 =	vld [tilespmem:s19+$0xFFFFFFC0];
	[tilespmem:s17+$0x50] =	vst v4  }
0xfa: {  	v4 =	vld [tilespmem:s19+$0xFFFFFFD0];
	v6 =	vand.u32 $0xFFFF, v6;
	[tilespmem:s17+$0x60] =	vst v5;
	s17 =	smov.u32 s19  }
0xfb: {  	v0 =	vand.u32 $0xFFFF, v0;
	v5 =	vld [tilespmem:s19+$0xFFFFFFE0]  }
0xfc: {  	v1 =	vand.u32 $0xFFFF, v1;
	v7 =	vld [tilespmem:s19+$0xFFFFFFF0]  }
0xfd: {  	v2 =	vand.u32 $0xFFFF, v2;
	v8 =	vld [tilespmem:s19+$0x0]  }
0xfe: {  	v3 =	vand.u32 $0xFFFF, v3;
	v9 =	vld [tilespmem:s19+$0x10]  }
0xff: {  	v4 =	vand.u32 $0xFFFF, v4;
	v6 =	vld.idx.msk [tilespmem:v6+s3+$0x0], $0xffff  }
0x100: {  	v5 =	vand.u32 $0xFFFF, v5;
	v10 =	vld [tilespmem:s19+$0x20]  }
0x101: {  	v7 =	vand.u32 $0xFFFF, v7;
	v11 =	vld [tilespmem:s19+$0x30]  }
0x102: {  	v8 =	vand.u32 $0xFFFF, v8;
	v12 =	vld [tilespmem:s19+$0x40]  }
0x103: {  	v9 =	vand.u32 $0xFFFF, v9;
	v13 =	vld [tilespmem:s19+$0x50]  }
0x104: {  	v14 =	vld [tilespmem:s19+$0x60]  }
0x105: {  	v15 =	vld [tilespmem:s19+$0xFFFFFF80];
	v10 =	vand.u32 $0xFFFF, v10;
	[tilespmem:s19+$0x70] =	vst v6  }
0x106: {  	v0 =	vld.idx.msk [tilespmem:v0+s3+$0x0], $0xffff;
	v6 =	vand.u32 $0xFFFF, v11  }
0x107: {  	v1 =	vld.idx.msk [tilespmem:v1+s3+$0x0], $0xffff;
	v11 =	vand.u32 $0xFFFF, v12  }
0x108: {  	v2 =	vld.idx.msk [tilespmem:v2+s3+$0x0], $0xffff;
	v12 =	vand.u32 $0xFFFF, v13  }
0x109: {  	v3 =	vld.idx.msk [tilespmem:v3+s3+$0x0], $0xffff;
	v13 =	vand.u32 $0xFFFF, v14  }
0x10a: {  	v14 =	vand.u32 $0xFFFF, v15;
	v4 =	vld.idx.msk [tilespmem:v4+s3+$0x0], $0xffff  }
0x10b: {  	v5 =	vld.idx.msk [tilespmem:v5+s3+$0x0], $0xffff  }
0x10c: {  	[tilespmem:s19+$0xFFFFFF90] =	vst v0;
	v7 =	vld.idx.msk [tilespmem:v7+s3+$0x0], $0xffff  }
0x10d: {  	[tilespmem:s19+$0xFFFFFFA0] =	vst v1;
	v8 =	vld.idx.msk [tilespmem:v8+s3+$0x0], $0xffff  }
0x10e: {  	[tilespmem:s19+$0xFFFFFFB0] =	vst v2;
	v9 =	vld.idx.msk [tilespmem:v9+s3+$0x0], $0xffff  }
0x10f: {  	v0 =	vld.idx.msk [tilespmem:v14+s3+$0x0], $0xffff;
	[tilespmem:s19+$0xFFFFFFC0] =	vst v3  }
.Ltmp10:
0x110: {  	[tilespmem:s19+$0xFFFFFFD0] =	vst v4;
	v1 =	vld.idx.msk [tilespmem:v10+s3+$0x0], $0xffff;
	(pc) =	sbr.rel @p0 .LBB2_5-.Ltmp10, $4  }
0x111: {  	[tilespmem:s19+$0xFFFFFFE0] =	vst v5;
	v2 =	vld.idx.msk [tilespmem:v6+s3+$0x0], $0xffff  }
0x112: {  	[tilespmem:s19+$0xFFFFFFF0] =	vst v7;
	v3 =	vld.idx.msk [tilespmem:v11+s3+$0x0], $0xffff  }
0x113: {  	[tilespmem:s19+$0x0] =	vst v8;
	v4 =	vld.idx.msk [tilespmem:v12+s3+$0x0], $0xffff  }
0x114: {  	s19 =	sadd.s32 $0x100, s19;
	[tilespmem:s17+$0x10] =	vst v9;
	v5 =	vld.idx.msk [tilespmem:v13+s3+$0x0], $0xffff  }
0x115: {  	[tilespmem:s17+$0xFFFFFF80] =	vst v0  }
.Ltmp11:
0x116: {  	[tilespmem:s17+$0x20] =	vst v1;
	(pc) =	sbr.rel .LBB2_13-.Ltmp11, $4  }
0x117: {  	[tilespmem:s17+$0x30] =	vst v2  }
0x118: {  	[tilespmem:s17+$0x40] =	vst v3  }
0x119: {  	[tilespmem:s17+$0x50] =	vst v4  }
0x11a: {  	[tilespmem:s17+$0x60] =	vst v5;
	s17 =	simm.s32 $0x10000  }
.LBB2_15:
0x11b: {  	_ =	sfence.sel $0x180000  }
0x11c: {  	[bflag:$0x0] =	sbarrier.arrive $0xFFFF  }
0x11d: {  	p0 =	sne.s32 s1, $0x0;
	_ =	strace $0x90000047  }
0x11e: {  	s0 =	sadd.s32 @!p0 $0x100000, s0;
	[bflag:$0x2] =	sbarrier.arrive $0xFFFF  }
0x11f: {  	[sflag:s0] =	ssyncadd.tile.s32 @!p0 $0x1;
	_ =	shalt  }
.Lfunc_end2:
_tile_overlayer_lowered:
.L_overlay_start_2:
0x120: {  	(tag) =	ssettag $0x2  }
0x121: {  	s0 =	rddreg [dreg:$0x0];
	s2 =	stileid.u32  }
0x122: {  	s1 =	rddreg [dreg:$0x1];
	p0 =	sne.s32 s2, $0x0  }
0x123: {  	s3 =	rddreg [dreg:$0x2];
	[bflag:$0x3] =	sbarrier.arrive $0xFFFF;
	s2 =	simm.s32 @!p0 $0x1C03  }
0x124: {  	[timem:s3], [sflag:s2] =	dma.local @!p0 [hbm:s0], s1  }
0x125: {  	s0 =	simm.s32 @!p0 $0x3  }
0x126: {  	_ =	swait.ge @!p0 [sflag:s0], s1  }
0x127: {  	s1 =	ssub.s32 @!p0 $0x0, s1;
	[sflag:s0] =	ssyncset.done @!p0 $0x0  }
0x128: {  	[sflag:s0] =	ssyncadd.s32 @!p0 s1  }
0x129: {  	[bflag:$0x3] =	sbarrier.arrive $0xFFFF  }
0x12a: {  	_ =	shalt  }

</sc_bundles>
